<compile_context>
chip_gen: v7x
topology: tpu7x:2x2x1
jax: 0.10.2.dev20260603
libtpu: 0.0.44.dev20260713+nightly
codegen_flags: <defaults>
</compile_context>

<pallas_src>
import functools

import jax
import jax.numpy as jnp
from jax import lax
from jax.experimental import pallas as pl
from jax.experimental.pallas import tpu as pltpu
from jax.experimental.pallas import tpu_sc as plsc

N = 10000
D = 128
E = 320000

NC = 2
NS = 16
NW = NC * NS

NP = 10240
HR = NP // 128
ROWS_PER_TILE = HR // NS

K_EDGE = 128
CH_K1 = 79
CH0 = 104
CH1 = 54
QC = 40
NQ = 3
FLAT_CH = 2568
E_PAD = FLAT_CH * K_EDGE
ROWS_OUT = NP // NS

_mesh = lambda: plsc.VectorSubcoreMesh(core_axis_name="c", subcore_axis_name="s")


def _newton_rsqrt(d):
    i = plsc.bitcast(d, jnp.int32)
    i = jnp.int32(0x5F3759DF) - lax.shift_right_logical(i, 1)
    y = plsc.bitcast(i, jnp.float32)
    for _ in range(3):
        y = y * (1.5 - 0.5 * d * y * y)
    return y


def _k1_body(dst_hbm, ones_hbm, deg_hbm, didx_v, ones_v, sem, deg_sh):
    c = lax.axis_index("c")
    s = lax.axis_index("s")
    w = c * NS + s
    npt = NP // NS
    zeros16 = jnp.zeros((16,), jnp.float32)

    def zbody(i, _):
        r = i // 8
        k = i % 8
        ones_v[r, pl.ds(k * 16, 16)] = zeros16
        return 0

    lax.fori_loop(0, K_EDGE * 8, zbody, 0)
    for t in range(npt // K_EDGE):
        pltpu.sync_copy(ones_v,
                        deg_sh.at[pl.ds(s * npt + t * K_EDGE, K_EDGE)])
    pltpu.sync_copy(ones_hbm, ones_v)
    pltpu.sync_copy(dst_hbm.at[w], didx_v)
    plsc.subcore_barrier()

    def fire4(p, _):
        j0 = p * 4
        for b in range(4):
            pltpu.async_copy(ones_v, deg_sh.at[didx_v.at[j0 + b]], sem,
                             add=True)
        for b in range(4):
            pltpu.make_async_copy(ones_v, deg_sh.at[didx_v.at[j0 + b]],
                                  sem).wait()
        return 0

    lax.fori_loop(0, CH_K1 // 4, fire4, 0)
    for j in range(CH_K1 - (CH_K1 // 4) * 4):
        jj = (CH_K1 // 4) * 4 + j
        pltpu.async_copy(ones_v, deg_sh.at[didx_v.at[jj]], sem, add=True)
        pltpu.make_async_copy(ones_v, deg_sh.at[didx_v.at[jj]], sem).wait()
    plsc.subcore_barrier()

    pltpu.sync_copy(deg_sh.at[pl.ds(s * npt, npt)],
                    deg_hbm.at[c, pl.ds(s * npt, npt)])


def _run_k1(dst_r, ones_col):
    f = pl.kernel(
        _k1_body,
        out_type=jax.ShapeDtypeStruct((NC, NP, 128), jnp.float32),
        mesh=_mesh(),
        scratch_types=[
            pltpu.VMEM((CH_K1, K_EDGE), jnp.int32),
            pltpu.VMEM((K_EDGE, 128), jnp.float32),
            pltpu.SemaphoreType.DMA,
            pltpu.VMEM_SHARED((NP, 128), jnp.float32),
        ],
    )
    return f(dst_r, ones_col)


def _k2_body(x_ref, w0_ref, wih_ref, whh_ref, bih_ref, bhh_ref, deg_ref,
             hp_ref, w_s):
    @pl.when(pl.program_id(0) == 0)
    def _():
        w0 = w0_ref[...]
        wc = wih_ref[...] + whh_ref[...]
        b = bih_ref[...] + bhh_ref[...]
        gates = lax.dot_general(
            w0, wc, (((1,), (1,)), ((), ())),
            preferred_element_type=jnp.float32) + b
        i_ = jax.nn.sigmoid(gates[:, 0:128])
        f_ = jax.nn.sigmoid(gates[:, 128:256])
        g_ = jnp.tanh(gates[:, 256:384])
        o_ = jax.nn.sigmoid(gates[:, 384:512])
        c_ = f_ * w0 + i_ * g_
        w_s[...] = o_ * jnp.tanh(c_)

    h = jnp.dot(x_ref[...], w_s[...], preferred_element_type=jnp.float32)
    deg = deg_ref[0] + deg_ref[1] + 1.0
    hp_ref[...] = h * lax.rsqrt(deg)


def _run_k2(x, w0, wih, whh, bih, bhh, deg):
    rb = 400
    grid = (N // rb,)
    return pl.pallas_call(
        _k2_body,
        grid=grid,
        in_specs=[
            pl.BlockSpec((rb, D), lambda i: (i, 0)),
            pl.BlockSpec((D, D), lambda i: (0, 0)),
            pl.BlockSpec((4 * D, D), lambda i: (0, 0)),
            pl.BlockSpec((4 * D, D), lambda i: (0, 0)),
            pl.BlockSpec((1, 4 * D), lambda i: (0, 0)),
            pl.BlockSpec((1, 4 * D), lambda i: (0, 0)),
            pl.BlockSpec((NC, rb, 1), lambda i: (0, i, 0)),
        ],
        out_specs=pl.BlockSpec((rb, D), lambda i: (i, 0)),
        out_shape=jax.ShapeDtypeStruct((N, D), jnp.float32),
        scratch_shapes=[pltpu.VMEM((D, D), jnp.float32)],
    )(x, w0, wih, whh, bih, bhh, deg)


def _k3_body(src_hbm, dst_hbm, hp_hbm, acc_hbm,
             sidx_v, didx_v, rows0_v, gs0, ss0, acc_sh):
    c = lax.axis_index("c")
    s = lax.axis_index("s")
    w = c * NS + s
    zeros16 = jnp.zeros((16,), jnp.float32)

    def zbody(i, _):
        r = i // 8
        k = i % 8
        rows0_v[r, pl.ds(k * 16, 16)] = zeros16
        return 0

    lax.fori_loop(0, K_EDGE * 8, zbody, 0)
    for t in range(ROWS_OUT // K_EDGE):
        pltpu.sync_copy(
            rows0_v, acc_sh.at[pl.ds(s * ROWS_OUT + t * K_EDGE, K_EDGE)]
        )

    plsc.subcore_barrier()

    ch_c = jnp.where(c == 0, CH0, CH1)
    base_c = jnp.where(c == 0, s * CH0, NS * CH0 + s * CH1)

    for q in range(NQ):
        start = base_c + q * QC
        cnt = jnp.clip(ch_c - q * QC, 0, QC)

        @pl.when(cnt > 0)
        def _():
            aligned = (start // 8) * 8
            off = start - aligned
            pltpu.sync_copy(src_hbm.at[pl.ds(aligned, QC + 8)], sidx_v)
            pltpu.sync_copy(dst_hbm.at[pl.ds(aligned, QC + 8)], didx_v)

            def chunk(jj, _):
                j = off + jj
                pltpu.async_copy(hp_hbm.at[sidx_v.at[j]], rows0_v, gs0)
                pltpu.make_async_copy(
                    hp_hbm.at[sidx_v.at[j]], rows0_v, gs0).wait()
                pltpu.async_copy(
                    rows0_v, acc_sh.at[didx_v.at[j]], ss0, add=True)
                pltpu.make_async_copy(
                    rows0_v, acc_sh.at[didx_v.at[j]], ss0).wait()
                return 0

            lax.fori_loop(0, cnt, chunk, 0)

    plsc.subcore_barrier()

    pltpu.sync_copy(
        acc_sh.at[pl.ds(s * ROWS_OUT, ROWS_OUT)],
        acc_hbm.at[c, pl.ds(s * ROWS_OUT, ROWS_OUT)],
    )


def _run_k3(src_f, dst_f, hp):
    f = pl.kernel(
        _k3_body,
        out_type=jax.ShapeDtypeStruct((NC, NP, D), jnp.float32),
        mesh=_mesh(),
        scratch_types=[
            pltpu.VMEM((QC + 8, K_EDGE), jnp.int32),
            pltpu.VMEM((QC + 8, K_EDGE), jnp.int32),
            pltpu.VMEM((K_EDGE, D), jnp.float32),
            pltpu.SemaphoreType.DMA,
            pltpu.SemaphoreType.DMA,
            pltpu.VMEM_SHARED((NP, D), jnp.float32),
        ],
    )
    return f(src_f, dst_f, hp)


def _k4_body(acc_ref, hp_ref, deg_ref, out_ref):
    tot = acc_ref[0] + acc_ref[1] + hp_ref[...]
    deg = deg_ref[0] + deg_ref[1] + 1.0
    out_ref[...] = jnp.maximum(tot * lax.rsqrt(deg), 0.0)


def _run_k4(acc, hp, deg):
    rb = 400
    return pl.pallas_call(
        _k4_body,
        grid=(N // rb,),
        in_specs=[
            pl.BlockSpec((NC, rb, D), lambda i: (0, i, 0)),
            pl.BlockSpec((rb, D), lambda i: (i, 0)),
            pl.BlockSpec((NC, rb, 1), lambda i: (0, i, 0)),
        ],
        out_specs=pl.BlockSpec((rb, D), lambda i: (i, 0)),
        out_shape=jax.ShapeDtypeStruct((N, D), jnp.float32),
    )(acc, hp, deg)


def kernel(x, edge_index, W0, W_ih, W_hh, b_ih, b_hh):
    pad = E_PAD - E
    src_f = jnp.concatenate(
        [edge_index[0], jnp.zeros((pad,), jnp.int32)]).reshape(FLAT_CH,
                                                               K_EDGE)
    dst_f = jnp.concatenate(
        [edge_index[1], jnp.full((pad,), N, jnp.int32)]).reshape(FLAT_CH,
                                                                 K_EDGE)
    dst_r = dst_f[:NW * CH_K1].reshape(NW, CH_K1, K_EDGE)

    ones_col = jnp.zeros((K_EDGE, 128), jnp.float32).at[:, 0].set(1.0)
    deg128 = _run_k1(dst_r, ones_col)
    deg = deg128[:, :, 0:1]

    hp = _run_k2(x, W0, W_ih, W_hh,
                 b_ih.reshape(1, 4 * D), b_hh.reshape(1, 4 * D), deg)

    acc = _run_k3(src_f, dst_f, hp)

    return _run_k4(acc, hp, deg)

# --- scband reference (transcript-rebuilt; emitter-appended) ---
"""Pipeline reference for scband-egcnlayer-64218351010255 (READ-ONLY COPY).

The authoritative reference and input builder live on the scoring server;
editing this copy changes nothing except your own understanding.
"""

import jax, jax.numpy as jnp
import numpy as np

N = 10000
D = 128
E = 320000


def setup_inputs(seed: int = 0) -> dict:
    key = jax.random.key(seed)
    ks = jax.random.split(key, 8)
    x = jax.random.normal(ks[0], (N, D), dtype=jnp.float32)
    edge_index = jax.random.randint(ks[1], (2, E), 0, N, dtype=jnp.int32)
    s = 1.0 / np.sqrt(D)
    W0 = jax.random.normal(ks[2], (D, D), dtype=jnp.float32) * s
    W_ih = jax.random.normal(ks[3], (4 * D, D), dtype=jnp.float32) * s
    W_hh = jax.random.normal(ks[4], (4 * D, D), dtype=jnp.float32) * s
    b_ih = jax.random.normal(ks[5], (4 * D,), dtype=jnp.float32) * s
    b_hh = jax.random.normal(ks[6], (4 * D,), dtype=jnp.float32) * s
    return {"x": x, "edge_index": edge_index, "W0": W0, "W_ih": W_ih, "W_hh": W_hh, "b_ih": b_ih, "b_hh": b_hh}


def reference(x, edge_index, W0, W_ih, W_hh, b_ih, b_hh):
    # EvolveGCNO: evolve GCN weight via one LSTM cell step.
    # First call: input=W0, h0=W0, c0=W0 (rows of W are the LSTM batch dim).
    gates = W0 @ W_ih.T + b_ih + W0 @ W_hh.T + b_hh
    i, f, g, o = jnp.split(gates, 4, axis=-1)
    i = jax.nn.sigmoid(i)
    f = jax.nn.sigmoid(f)
    g = jnp.tanh(g)
    o = jax.nn.sigmoid(o)
    c = f * W0 + i * g
    W = o * jnp.tanh(c)  # evolved weight [D, D]

    # GCNConv with fixed (evolved) weight W; add self-loops, symmetric norm.
    n = x.shape[0]
    loop = jnp.arange(n, dtype=edge_index.dtype)
    src = jnp.concatenate([edge_index[0], loop])
    dst = jnp.concatenate([edge_index[1], loop])
    ew = jnp.ones(src.shape[0], dtype=x.dtype)
    deg = jax.ops.segment_sum(ew, dst, num_segments=n)
    dis = jnp.where(deg > 0, 1.0 / jnp.sqrt(deg), 0.0)
    norm = dis[src] * ew * dis[dst]
    h = x @ W
    msg = h[src] * norm[:, None]
    out = jax.ops.segment_sum(msg, dst, num_segments=n)
    # post_layer: ReLU (+ Dropout p=0.0 => identity)
    return jax.nn.relu(out)

if __name__ == "__main__":
    import jax
    _d = setup_inputs()
    print(jax.jit(kernel)(*tuple(_d.values())))

</pallas_src>

<mosaic_0001>
#map = affine_map<(d0, d1) -> (0, 0)>
#map1 = affine_map<(d0, d1) -> (0, 0, 0)>
module attributes {stable_mosaic.version = 14 : i64} {
  func.func @_k3_body(%arg0: i32, %arg1: i32, %arg2: memref<2568x128xi32, #tpu.memory_space<hbm>>, %arg3: memref<2568x128xi32, #tpu.memory_space<hbm>>, %arg4: memref<10000x128xf32, #tpu.memory_space<hbm>>, %arg5: memref<2x10240x128xf32, #tpu.memory_space<hbm>>, %arg6: memref<48x128xi32, #tpu.memory_space<vmem>>, %arg7: memref<48x128xi32, #tpu.memory_space<vmem>>, %arg8: memref<128x128xf32, #tpu.memory_space<vmem>>, %arg9: memref<!tpu.dma_semaphore, #tpu.memory_space<semaphore_mem>>, %arg10: memref<!tpu.dma_semaphore, #tpu.memory_space<semaphore_mem>>, %arg11: memref<10240x128xf32, #tpu.memory_space<vmem_shared>>) attributes {dimension_semantics = [#tpu.dimension_semantics<core_parallel>, #tpu.dimension_semantics<subcore_parallel>], iteration_bounds = array<i64: 2, 16>, scalar_prefetch = 0 : i64, scratch_operands = 6 : i64, tpu.core_type = #tpu.core_type<sc_vector_subcore>, window_params = [{transform_indices = #map}, {transform_indices = #map}, {transform_indices = #map}, {transform_indices = #map1}]} {
    %mul3A = arith.constant 16 : i32
    %mul3A_0 = arith.muli %arg0, %mul3A : i32
    %add3A = arith.addi %mul3A_0, %arg1 : i32
    %broadcast_in_dim3A = arith.constant 0.000000e+00 : f32
    %broadcast_in_dim3A_1 = vector.broadcast %broadcast_in_dim3A : f32 to vector<16xf32>
    %scan3A = arith.constant 0 : i32
    %scan3A_2 = arith.constant 0 : i32
    %scan3A_3 = arith.constant 1024 : i32
    %scan3A_4 = arith.addi %scan3A_2, %scan3A_3 : i32
    %scan3A_5 = arith.constant 1 : i32
    %scan3A_6 = scf.for %scan3A_77 = %scan3A_2 to %scan3A_4 step %scan3A_5 iter_args(%scan3A_78 = %scan3A) -> (i32)  : i32 {
      %jit3A_79 = arith.constant 8 : i32
      %div3A = arith.divsi %scan3A_77, %jit3A_79 : i32
      %sign3A = arith.constant 0 : i32
      %sign3A_80 = arith.cmpi sgt, %scan3A_77, %sign3A : i32
      %sign3A_81 = arith.extui %sign3A_80 : i1 to i32
      %sign3A_82 = arith.constant 0 : i32
      %sign3A_83 = arith.cmpi slt, %scan3A_77, %sign3A_82 : i32
      %sign3A_84 = arith.extui %sign3A_83 : i1 to i32
      %sign3A_85 = arith.subi %sign3A_81, %sign3A_84 : i32
      %sign3A_86 = arith.constant 0 : i32
      %sign3A_87 = arith.cmpi sgt, %jit3A_79, %sign3A_86 : i32
      %sign3A_88 = arith.extui %sign3A_87 : i1 to i32
      %sign3A_89 = arith.constant 0 : i32
      %sign3A_90 = arith.cmpi slt, %jit3A_79, %sign3A_89 : i32
      %sign3A_91 = arith.extui %sign3A_90 : i1 to i32
      %sign3A_92 = arith.subi %sign3A_88, %sign3A_91 : i32
      %ne3A = arith.cmpi ne, %sign3A_85, %sign3A_92 : i32
      %rem3A = arith.remsi %scan3A_77, %jit3A_79 : i32
      %ne3A_93 = arith.constant 0 : i32
      %ne3A_94 = arith.cmpi ne, %rem3A, %ne3A_93 : i32
      %and3A = arith.andi %ne3A, %ne3A_94 : i1
      %sub3A_95 = arith.constant 1 : i32
      %sub3A_96 = arith.subi %div3A, %sub3A_95 : i32
      %select_n3A_97 = arith.select %and3A, %sub3A_96, %div3A : i32
      %jit3A_98 = arith.constant 8 : i32
      %eq3A_99 = arith.constant 0 : i32
      %eq3A_100 = arith.cmpi eq, %jit3A_98, %eq3A_99 : i32
      %jit3A_101 = arith.constant 1 : i32
      %select_n3A_102 = arith.select %eq3A_100, %jit3A_101, %jit3A_98 : i32
      %rem3A_103 = arith.remsi %scan3A_77, %select_n3A_102 : i32
      %ne3A_104 = arith.constant 0 : i32
      %ne3A_105 = arith.cmpi ne, %rem3A_103, %ne3A_104 : i32
      %lt3A = arith.constant 0 : i32
      %lt3A_106 = arith.cmpi slt, %rem3A_103, %lt3A : i32
      %lt3A_107 = arith.constant 0 : i32
      %lt3A_108 = arith.cmpi slt, %select_n3A_102, %lt3A_107 : i32
      %ne3A_109 = arith.xori %lt3A_106, %lt3A_108 : i1
      %and3A_110 = arith.andi %ne3A_109, %ne3A_105 : i1
      %add3A_111 = arith.addi %rem3A_103, %select_n3A_102 : i32
      %select_n3A_112 = arith.select %and3A_110, %add3A_111, %rem3A_103 : i32
      %mul3A_113 = arith.constant 16 : i32
      %mul3A_114 = arith.muli %select_n3A_112, %mul3A_113 : i32
      %swap3A = arith.index_cast %select_n3A_97 : i32 to index
      %swap3A_115 = arith.index_cast %mul3A_114 : i32 to index
      %swap3A_116 = tpu.vector_load %arg8[%swap3A, %swap3A_115] {strides = array<i32>} : memref<128x128xf32, #tpu.memory_space<vmem>>, vector<1x16xf32>,
      %swap3A_117 = vector.shape_cast %swap3A_116 : vector<1x16xf32> to vector<16xf32>
      %swap3A_118 = vector.shape_cast %broadcast_in_dim3A_1 : vector<16xf32> to vector<1x16xf32>
      tpu.vector_store %arg8[%swap3A, %swap3A_115], %swap3A_118 {strides = array<i32>} : memref<128x128xf32, #tpu.memory_space<vmem>>, vector<1x16xf32>,
      %scan3A_119 = arith.constant 0 : i32
      scf.yield %scan3A_119 : i32
    }
    %scan3A_7 = arith.constant 1024 : i32
    %mul3A_8 = arith.constant 640 : i32
    %mul3A_9 = arith.muli %arg1, %mul3A_8 : i32
    %add3A_10 = arith.constant 0 : i32
    %add3A_11 = arith.addi %mul3A_9, %add3A_10 : i32
    "tpu.region"() ({
      %run_scoped3A = tpu.sem_alloc : memref<!tpu.dma_semaphore, #tpu.memory_space<semaphore_mem>>
      %dma_start3A = arith.constant 0 : i32
      %dma_start3A_77 = tpu.memref_slice %arg11[%add3A_11, %dma_start3A] : memref<10240x128xf32, #tpu.memory_space<vmem_shared>> -> memref<128x128xf32, #tpu.memory_space<vmem_shared>>
      %dma_start3A_78 = arith.constant 0 : i32
      %dma_start3A_79 = tpu.memref_slice %arg11[%add3A_11, %dma_start3A_78] : memref<10240x128xf32, #tpu.memory_space<vmem_shared>> -> memref<128x128xf32, #tpu.memory_space<vmem_shared>>
      tpu.enqueue_dma source(%arg8 : memref<128x128xf32, #tpu.memory_space<vmem>>) target(%dma_start3A_79 : memref<128x128xf32, #tpu.memory_space<vmem_shared>>) target_semaphore(%run_scoped3A : memref<!tpu.dma_semaphore, #tpu.memory_space<semaphore_mem>>)
      %dma_wait3A = arith.constant 0 : i32
      %dma_wait3A_80 = tpu.memref_slice %arg11[%add3A_11, %dma_wait3A] : memref<10240x128xf32, #tpu.memory_space<vmem_shared>> -> memref<128x128xf32, #tpu.memory_space<vmem_shared>>
      %dma_wait3A_81 = arith.constant 0 : i32
      %dma_wait3A_82 = tpu.memref_slice %arg11[%add3A_11, %dma_wait3A_81] : memref<10240x128xf32, #tpu.memory_space<vmem_shared>> -> memref<128x128xf32, #tpu.memory_space<vmem_shared>>
      tpu.wait_dma2 semaphore(%run_scoped3A : memref<!tpu.dma_semaphore, #tpu.memory_space<semaphore_mem>>) src(%arg8 : memref<128x128xf32, #tpu.memory_space<vmem>>) dst(%dma_wait3A_82 : memref<128x128xf32, #tpu.memory_space<vmem_shared>>)
      tpu.yield
    }) : () -> ()
    %mul3A_12 = arith.constant 640 : i32
    %mul3A_13 = arith.muli %arg1, %mul3A_12 : i32
    %add3A_14 = arith.constant 128 : i32
    %add3A_15 = arith.addi %mul3A_13, %add3A_14 : i32
    "tpu.region"() ({
      %run_scoped3A = tpu.sem_alloc : memref<!tpu.dma_semaphore, #tpu.memory_space<semaphore_mem>>
      %dma_start3A = arith.constant 0 : i32
      %dma_start3A_77 = tpu.memref_slice %arg11[%add3A_15, %dma_start3A] : memref<10240x128xf32, #tpu.memory_space<vmem_shared>> -> memref<128x128xf32, #tpu.memory_space<vmem_shared>>
      %dma_start3A_78 = arith.constant 0 : i32
      %dma_start3A_79 = tpu.memref_slice %arg11[%add3A_15, %dma_start3A_78] : memref<10240x128xf32, #tpu.memory_space<vmem_shared>> -> memref<128x128xf32, #tpu.memory_space<vmem_shared>>
      tpu.enqueue_dma source(%arg8 : memref<128x128xf32, #tpu.memory_space<vmem>>) target(%dma_start3A_79 : memref<128x128xf32, #tpu.memory_space<vmem_shared>>) target_semaphore(%run_scoped3A : memref<!tpu.dma_semaphore, #tpu.memory_space<semaphore_mem>>)
      %dma_wait3A = arith.constant 0 : i32
      %dma_wait3A_80 = tpu.memref_slice %arg11[%add3A_15, %dma_wait3A] : memref<10240x128xf32, #tpu.memory_space<vmem_shared>> -> memref<128x128xf32, #tpu.memory_space<vmem_shared>>
      %dma_wait3A_81 = arith.constant 0 : i32
      %dma_wait3A_82 = tpu.memref_slice %arg11[%add3A_15, %dma_wait3A_81] : memref<10240x128xf32, #tpu.memory_space<vmem_shared>> -> memref<128x128xf32, #tpu.memory_space<vmem_shared>>
      tpu.wait_dma2 semaphore(%run_scoped3A : memref<!tpu.dma_semaphore, #tpu.memory_space<semaphore_mem>>) src(%arg8 : memref<128x128xf32, #tpu.memory_space<vmem>>) dst(%dma_wait3A_82 : memref<128x128xf32, #tpu.memory_space<vmem_shared>>)
      tpu.yield
    }) : () -> ()
    %mul3A_16 = arith.constant 640 : i32
    %mul3A_17 = arith.muli %arg1, %mul3A_16 : i32
    %add3A_18 = arith.constant 256 : i32
    %add3A_19 = arith.addi %mul3A_17, %add3A_18 : i32
    "tpu.region"() ({
      %run_scoped3A = tpu.sem_alloc : memref<!tpu.dma_semaphore, #tpu.memory_space<semaphore_mem>>
      %dma_start3A = arith.constant 0 : i32
      %dma_start3A_77 = tpu.memref_slice %arg11[%add3A_19, %dma_start3A] : memref<10240x128xf32, #tpu.memory_space<vmem_shared>> -> memref<128x128xf32, #tpu.memory_space<vmem_shared>>
      %dma_start3A_78 = arith.constant 0 : i32
      %dma_start3A_79 = tpu.memref_slice %arg11[%add3A_19, %dma_start3A_78] : memref<10240x128xf32, #tpu.memory_space<vmem_shared>> -> memref<128x128xf32, #tpu.memory_space<vmem_shared>>
      tpu.enqueue_dma source(%arg8 : memref<128x128xf32, #tpu.memory_space<vmem>>) target(%dma_start3A_79 : memref<128x128xf32, #tpu.memory_space<vmem_shared>>) target_semaphore(%run_scoped3A : memref<!tpu.dma_semaphore, #tpu.memory_space<semaphore_mem>>)
      %dma_wait3A = arith.constant 0 : i32
      %dma_wait3A_80 = tpu.memref_slice %arg11[%add3A_19, %dma_wait3A] : memref<10240x128xf32, #tpu.memory_space<vmem_shared>> -> memref<128x128xf32, #tpu.memory_space<vmem_shared>>
      %dma_wait3A_81 = arith.constant 0 : i32
      %dma_wait3A_82 = tpu.memref_slice %arg11[%add3A_19, %dma_wait3A_81] : memref<10240x128xf32, #tpu.memory_space<vmem_shared>> -> memref<128x128xf32, #tpu.memory_space<vmem_shared>>
      tpu.wait_dma2 semaphore(%run_scoped3A : memref<!tpu.dma_semaphore, #tpu.memory_space<semaphore_mem>>) src(%arg8 : memref<128x128xf32, #tpu.memory_space<vmem>>) dst(%dma_wait3A_82 : memref<128x128xf32, #tpu.memory_space<vmem_shared>>)
      tpu.yield
    }) : () -> ()
    %mul3A_20 = arith.constant 640 : i32
    %mul3A_21 = arith.muli %arg1, %mul3A_20 : i32
    %add3A_22 = arith.constant 384 : i32
    %add3A_23 = arith.addi %mul3A_21, %add3A_22 : i32
    "tpu.region"() ({
      %run_scoped3A = tpu.sem_alloc : memref<!tpu.dma_semaphore, #tpu.memory_space<semaphore_mem>>
      %dma_start3A = arith.constant 0 : i32
      %dma_start3A_77 = tpu.memref_slice %arg11[%add3A_23, %dma_start3A] : memref<10240x128xf32, #tpu.memory_space<vmem_shared>> -> memref<128x128xf32, #tpu.memory_space<vmem_shared>>
      %dma_start3A_78 = arith.constant 0 : i32
      %dma_start3A_79 = tpu.memref_slice %arg11[%add3A_23, %dma_start3A_78] : memref<10240x128xf32, #tpu.memory_space<vmem_shared>> -> memref<128x128xf32, #tpu.memory_space<vmem_shared>>
      tpu.enqueue_dma source(%arg8 : memref<128x128xf32, #tpu.memory_space<vmem>>) target(%dma_start3A_79 : memref<128x128xf32, #tpu.memory_space<vmem_shared>>) target_semaphore(%run_scoped3A : memref<!tpu.dma_semaphore, #tpu.memory_space<semaphore_mem>>)
      %dma_wait3A = arith.constant 0 : i32
      %dma_wait3A_80 = tpu.memref_slice %arg11[%add3A_23, %dma_wait3A] : memref<10240x128xf32, #tpu.memory_space<vmem_shared>> -> memref<128x128xf32, #tpu.memory_space<vmem_shared>>
      %dma_wait3A_81 = arith.constant 0 : i32
      %dma_wait3A_82 = tpu.memref_slice %arg11[%add3A_23, %dma_wait3A_81] : memref<10240x128xf32, #tpu.memory_space<vmem_shared>> -> memref<128x128xf32, #tpu.memory_space<vmem_shared>>
      tpu.wait_dma2 semaphore(%run_scoped3A : memref<!tpu.dma_semaphore, #tpu.memory_space<semaphore_mem>>) src(%arg8 : memref<128x128xf32, #tpu.memory_space<vmem>>) dst(%dma_wait3A_82 : memref<128x128xf32, #tpu.memory_space<vmem_shared>>)
      tpu.yield
    }) : () -> ()
    %mul3A_24 = arith.constant 640 : i32
    %mul3A_25 = arith.muli %arg1, %mul3A_24 : i32
    %add3A_26 = arith.constant 512 : i32
    %add3A_27 = arith.addi %mul3A_25, %add3A_26 : i32
    "tpu.region"() ({
      %run_scoped3A = tpu.sem_alloc : memref<!tpu.dma_semaphore, #tpu.memory_space<semaphore_mem>>
      %dma_start3A = arith.constant 0 : i32
      %dma_start3A_77 = tpu.memref_slice %arg11[%add3A_27, %dma_start3A] : memref<10240x128xf32, #tpu.memory_space<vmem_shared>> -> memref<128x128xf32, #tpu.memory_space<vmem_shared>>
      %dma_start3A_78 = arith.constant 0 : i32
      %dma_start3A_79 = tpu.memref_slice %arg11[%add3A_27, %dma_start3A_78] : memref<10240x128xf32, #tpu.memory_space<vmem_shared>> -> memref<128x128xf32, #tpu.memory_space<vmem_shared>>
      tpu.enqueue_dma source(%arg8 : memref<128x128xf32, #tpu.memory_space<vmem>>) target(%dma_start3A_79 : memref<128x128xf32, #tpu.memory_space<vmem_shared>>) target_semaphore(%run_scoped3A : memref<!tpu.dma_semaphore, #tpu.memory_space<semaphore_mem>>)
      %dma_wait3A = arith.constant 0 : i32
      %dma_wait3A_80 = tpu.memref_slice %arg11[%add3A_27, %dma_wait3A] : memref<10240x128xf32, #tpu.memory_space<vmem_shared>> -> memref<128x128xf32, #tpu.memory_space<vmem_shared>>
      %dma_wait3A_81 = arith.constant 0 : i32
      %dma_wait3A_82 = tpu.memref_slice %arg11[%add3A_27, %dma_wait3A_81] : memref<10240x128xf32, #tpu.memory_space<vmem_shared>> -> memref<128x128xf32, #tpu.memory_space<vmem_shared>>
      tpu.wait_dma2 semaphore(%run_scoped3A : memref<!tpu.dma_semaphore, #tpu.memory_space<semaphore_mem>>) src(%arg8 : memref<128x128xf32, #tpu.memory_space<vmem>>) dst(%dma_wait3A_82 : memref<128x128xf32, #tpu.memory_space<vmem_shared>>)
      tpu.yield
    }) : () -> ()
    %barrier3A = arith.constant 0 : index
    tpu.barrier barrier_id(%barrier3A)
    %eq3A = arith.constant 0 : i32
    %eq3A_28 = arith.cmpi eq, %arg0, %eq3A : i32
    %jit3A = arith.constant 104 : i32
    %jit3A_29 = arith.constant 54 : i32
    %select_n3A = arith.select %eq3A_28, %jit3A, %jit3A_29 : i32
    %eq3A_30 = arith.constant 0 : i32
    %eq3A_31 = arith.cmpi eq, %arg0, %eq3A_30 : i32
    %mul3A_32 = arith.constant 104 : i32
    %mul3A_33 = arith.muli %arg1, %mul3A_32 : i32
    %mul3A_34 = arith.constant 54 : i32
    %mul3A_35 = arith.muli %arg1, %mul3A_34 : i32
    %add3A_36 = arith.constant 1664 : i32
    %add3A_37 = arith.addi %add3A_36, %mul3A_35 : i32
    %select_n3A_38 = arith.select %eq3A_31, %mul3A_33, %add3A_37 : i32
    %add3A_39 = arith.constant 0 : i32
    %add3A_40 = arith.addi %select_n3A_38, %add3A_39 : i32
    %sub3A = arith.constant 0 : i32
    %sub3A_41 = arith.subi %select_n3A, %sub3A : i32
    %jit3A_42 = arith.constant 0 : i32
    %jit3A_43 = arith.constant 40 : i32
    %max3A = arith.maxsi %jit3A_42, %sub3A_41 : i32
    %min3A = arith.minsi %jit3A_43, %max3A : i32
    %gt3A = arith.constant 0 : i32
    %gt3A_44 = arith.cmpi sgt, %min3A, %gt3A : i32
    %convert_element_type3A = arith.extui %gt3A_44 : i1 to i32
    %cond3A = arith.constant 0 : i32
    %cond3A_45 = arith.cmpi ne, %convert_element_type3A, %cond3A : i32
    scf.if %cond3A_45 {
      %jit3A_77 = arith.constant 8 : i32
      %div3A = arith.divsi %add3A_40, %jit3A_77 : i32
      %sign3A = arith.constant 0 : i32
      %sign3A_78 = arith.cmpi sgt, %add3A_40, %sign3A : i32
      %sign3A_79 = arith.extui %sign3A_78 : i1 to i32
      %sign3A_80 = arith.constant 0 : i32
      %sign3A_81 = arith.cmpi slt, %add3A_40, %sign3A_80 : i32
      %sign3A_82 = arith.extui %sign3A_81 : i1 to i32
      %sign3A_83 = arith.subi %sign3A_79, %sign3A_82 : i32
      %sign3A_84 = arith.constant 0 : i32
      %sign3A_85 = arith.cmpi sgt, %jit3A_77, %sign3A_84 : i32
      %sign3A_86 = arith.extui %sign3A_85 : i1 to i32
      %sign3A_87 = arith.constant 0 : i32
      %sign3A_88 = arith.cmpi slt, %jit3A_77, %sign3A_87 : i32
      %sign3A_89 = arith.extui %sign3A_88 : i1 to i32
      %sign3A_90 = arith.subi %sign3A_86, %sign3A_89 : i32
      %ne3A = arith.cmpi ne, %sign3A_83, %sign3A_90 : i32
      %rem3A = arith.remsi %add3A_40, %jit3A_77 : i32
      %ne3A_91 = arith.constant 0 : i32
      %ne3A_92 = arith.cmpi ne, %rem3A, %ne3A_91 : i32
      %and3A = arith.andi %ne3A, %ne3A_92 : i1
      %sub3A_93 = arith.constant 1 : i32
      %sub3A_94 = arith.subi %div3A, %sub3A_93 : i32
      %select_n3A_95 = arith.select %and3A, %sub3A_94, %div3A : i32
      %mul3A_96 = arith.constant 8 : i32
      %mul3A_97 = arith.muli %select_n3A_95, %mul3A_96 : i32
      %sub3A_98 = arith.subi %add3A_40, %mul3A_97 : i32
      "tpu.region"() ({
        %run_scoped3A = tpu.sem_alloc : memref<!tpu.dma_semaphore, #tpu.memory_space<semaphore_mem>>
        %dma_start3A = arith.constant 0 : i32
        %dma_start3A_110 = tpu.memref_slice %arg2[%mul3A_97, %dma_start3A] : memref<2568x128xi32, #tpu.memory_space<hbm>> -> memref<48x128xi32, #tpu.memory_space<hbm>>
        %dma_start3A_111 = arith.constant 0 : i32
        %dma_start3A_112 = tpu.memref_slice %arg2[%mul3A_97, %dma_start3A_111] : memref<2568x128xi32, #tpu.memory_space<hbm>> -> memref<48x128xi32, #tpu.memory_space<hbm>>
        tpu.enqueue_dma source(%dma_start3A_112 : memref<48x128xi32, #tpu.memory_space<hbm>>) target(%arg6 : memref<48x128xi32, #tpu.memory_space<vmem>>) target_semaphore(%run_scoped3A : memref<!tpu.dma_semaphore, #tpu.memory_space<semaphore_mem>>)
        %dma_wait3A = arith.constant 0 : i32
        %dma_wait3A_113 = tpu.memref_slice %arg2[%mul3A_97, %dma_wait3A] : memref<2568x128xi32, #tpu.memory_space<hbm>> -> memref<48x128xi32, #tpu.memory_space<hbm>>
        %dma_wait3A_114 = arith.constant 0 : i32
        %dma_wait3A_115 = tpu.memref_slice %arg2[%mul3A_97, %dma_wait3A_114] : memref<2568x128xi32, #tpu.memory_space<hbm>> -> memref<48x128xi32, #tpu.memory_space<hbm>>
        tpu.wait_dma2 semaphore(%run_scoped3A : memref<!tpu.dma_semaphore, #tpu.memory_space<semaphore_mem>>) src(%dma_wait3A_115 : memref<48x128xi32, #tpu.memory_space<hbm>>) dst(%arg6 : memref<48x128xi32, #tpu.memory_space<vmem>>)
        tpu.yield
      }) : () -> ()
      "tpu.region"() ({
        %run_scoped3A = tpu.sem_alloc : memref<!tpu.dma_semaphore, #tpu.memory_space<semaphore_mem>>
        %dma_start3A = arith.constant 0 : i32
        %dma_start3A_110 = tpu.memref_slice %arg3[%mul3A_97, %dma_start3A] : memref<2568x128xi32, #tpu.memory_space<hbm>> -> memref<48x128xi32, #tpu.memory_space<hbm>>
        %dma_start3A_111 = arith.constant 0 : i32
        %dma_start3A_112 = tpu.memref_slice %arg3[%mul3A_97, %dma_start3A_111] : memref<2568x128xi32, #tpu.memory_space<hbm>> -> memref<48x128xi32, #tpu.memory_space<hbm>>
        tpu.enqueue_dma source(%dma_start3A_112 : memref<48x128xi32, #tpu.memory_space<hbm>>) target(%arg7 : memref<48x128xi32, #tpu.memory_space<vmem>>) target_semaphore(%run_scoped3A : memref<!tpu.dma_semaphore, #tpu.memory_space<semaphore_mem>>)
        %dma_wait3A = arith.constant 0 : i32
        %dma_wait3A_113 = tpu.memref_slice %arg3[%mul3A_97, %dma_wait3A] : memref<2568x128xi32, #tpu.memory_space<hbm>> -> memref<48x128xi32, #tpu.memory_space<hbm>>
        %dma_wait3A_114 = arith.constant 0 : i32
        %dma_wait3A_115 = tpu.memref_slice %arg3[%mul3A_97, %dma_wait3A_114] : memref<2568x128xi32, #tpu.memory_space<hbm>> -> memref<48x128xi32, #tpu.memory_space<hbm>>
        tpu.wait_dma2 semaphore(%run_scoped3A : memref<!tpu.dma_semaphore, #tpu.memory_space<semaphore_mem>>) src(%dma_wait3A_115 : memref<48x128xi32, #tpu.memory_space<hbm>>) dst(%arg7 : memref<48x128xi32, #tpu.memory_space<vmem>>)
        tpu.yield
      }) : () -> ()
      %while3A = arith.constant 0 : i32
      %while3A_99 = arith.constant 0 : i32
      %while3A_100 = arith.subi %min3A, %while3A : i32
      %while3A_101 = arith.addi %while3A, %while3A_100 : i32
      %while3A_102 = arith.constant 1 : i32
      %while3A_103 = arith.divsi %while3A_100, %while3A_102 : i32
      %while3A_104 = arith.muli %while3A_103, %while3A_102 : i32
      %while3A_105 = arith.addi %while3A, %while3A_104 : i32
      %while3A_106 = arith.constant 1 : i32
      %while3A_107 = scf.for %while3A_110 = %while3A to %while3A_105 step %while3A_106 iter_args(%while3A_111 = %while3A_99) -> (i32)  : i32 {
        %add3A_112 = arith.addi %sub3A_98, %while3A_110 : i32
        %dma_start3A = arith.constant 0 : i32
        %dma_start3A_113 = tpu.memref_slice %arg6[%add3A_112, %dma_start3A] : memref<48x128xi32, #tpu.memory_space<vmem>> -> memref<1x128xi32, #tpu.memory_space<vmem>>
        %dma_start3A_114 = tpu.memref_squeeze %dma_start3A_113 : memref<1x128xi32, #tpu.memory_space<vmem>> -> memref<128xi32, #tpu.memory_space<vmem>>
        %dma_start3A_115 = arith.constant 0 : i32
        %dma_start3A_116 = arith.constant 0 : i32
        %dma_start3A_117 = tpu.memref_slice %arg4[%dma_start3A_115, %dma_start3A_116] : memref<10000x128xf32, #tpu.memory_space<hbm>> -> memref<10000x128xf32, #tpu.memory_space<hbm>>
        tpu.enqueue_indirect_dma source(%dma_start3A_117 : memref<10000x128xf32, #tpu.memory_space<hbm>>) target(%arg8 : memref<128x128xf32, #tpu.memory_space<vmem>>) offsets(%dma_start3A_114 : memref<128xi32, #tpu.memory_space<vmem>>) semaphore(%arg9 : memref<!tpu.dma_semaphore, #tpu.memory_space<semaphore_mem>>)
        %dma_wait3A = arith.constant 0 : i32
        %dma_wait3A_118 = tpu.memref_slice %arg6[%add3A_112, %dma_wait3A] : memref<48x128xi32, #tpu.memory_space<vmem>> -> memref<1x128xi32, #tpu.memory_space<vmem>>
        %dma_wait3A_119 = tpu.memref_squeeze %dma_wait3A_118 : memref<1x128xi32, #tpu.memory_space<vmem>> -> memref<128xi32, #tpu.memory_space<vmem>>
        %dma_wait3A_120 = arith.constant 0 : i32
        %dma_wait3A_121 = arith.constant 0 : i32
        %dma_wait3A_122 = tpu.memref_slice %arg4[%dma_wait3A_120, %dma_wait3A_121] : memref<10000x128xf32, #tpu.memory_space<hbm>> -> memref<10000x128xf32, #tpu.memory_space<hbm>>
        tpu.wait_indirect_dma semaphore(%arg9 : memref<!tpu.dma_semaphore, #tpu.memory_space<semaphore_mem>>) src(%dma_wait3A_122 : memref<10000x128xf32, #tpu.memory_space<hbm>>) dst(%arg8 : memref<128x128xf32, #tpu.memory_space<vmem>>)
        %dma_start3A_123 = arith.constant 0 : i32
        %dma_start3A_124 = tpu.memref_slice %arg7[%add3A_112, %dma_start3A_123] : memref<48x128xi32, #tpu.memory_space<vmem>> -> memref<1x128xi32, #tpu.memory_space<vmem>>
        %dma_start3A_125 = tpu.memref_squeeze %dma_start3A_124 : memref<1x128xi32, #tpu.memory_space<vmem>> -> memref<128xi32, #tpu.memory_space<vmem>>
        %dma_start3A_126 = arith.constant 0 : i32
        %dma_start3A_127 = arith.constant 0 : i32
        %dma_start3A_128 = tpu.memref_slice %arg11[%dma_start3A_126, %dma_start3A_127] : memref<10240x128xf32, #tpu.memory_space<vmem_shared>> -> memref<10240x128xf32, #tpu.memory_space<vmem_shared>>
        tpu.enqueue_indirect_dma source(%arg8 : memref<128x128xf32, #tpu.memory_space<vmem>>) target(%dma_start3A_128 : memref<10240x128xf32, #tpu.memory_space<vmem_shared>>) offsets(%dma_start3A_125 : memref<128xi32, #tpu.memory_space<vmem>>) semaphore(%arg10 : memref<!tpu.dma_semaphore, #tpu.memory_space<semaphore_mem>>) {add = true}
        %dma_wait3A_129 = arith.constant 0 : i32
        %dma_wait3A_130 = tpu.memref_slice %arg7[%add3A_112, %dma_wait3A_129] : memref<48x128xi32, #tpu.memory_space<vmem>> -> memref<1x128xi32, #tpu.memory_space<vmem>>
        %dma_wait3A_131 = tpu.memref_squeeze %dma_wait3A_130 : memref<1x128xi32, #tpu.memory_space<vmem>> -> memref<128xi32, #tpu.memory_space<vmem>>
        %dma_wait3A_132 = arith.constant 0 : i32
        %dma_wait3A_133 = arith.constant 0 : i32
        %dma_wait3A_134 = tpu.memref_slice %arg11[%dma_wait3A_132, %dma_wait3A_133] : memref<10240x128xf32, #tpu.memory_space<vmem_shared>> -> memref<10240x128xf32, #tpu.memory_space<vmem_shared>>
        tpu.wait_indirect_dma semaphore(%arg10 : memref<!tpu.dma_semaphore, #tpu.memory_space<semaphore_mem>>) src(%arg8 : memref<128x128xf32, #tpu.memory_space<vmem>>) dst(%dma_wait3A_134 : memref<10240x128xf32, #tpu.memory_space<vmem_shared>>)
        %while3A_135 = arith.constant 0 : i32
        scf.yield %while3A_135 : i32
      }
      %while3A_108 = arith.constant 1 : i32
      %while3A_109 = scf.for %while3A_110 = %while3A_105 to %while3A_101 step %while3A_108 iter_args(%while3A_111 = %while3A_107) -> (i32)  : i32 {
        %add3A_112 = arith.addi %sub3A_98, %while3A_110 : i32
        %dma_start3A = arith.constant 0 : i32
        %dma_start3A_113 = tpu.memref_slice %arg6[%add3A_112, %dma_start3A] : memref<48x128xi32, #tpu.memory_space<vmem>> -> memref<1x128xi32, #tpu.memory_space<vmem>>
        %dma_start3A_114 = tpu.memref_squeeze %dma_start3A_113 : memref<1x128xi32, #tpu.memory_space<vmem>> -> memref<128xi32, #tpu.memory_space<vmem>>
        %dma_start3A_115 = arith.constant 0 : i32
        %dma_start3A_116 = arith.constant 0 : i32
        %dma_start3A_117 = tpu.memref_slice %arg4[%dma_start3A_115, %dma_start3A_116] : memref<10000x128xf32, #tpu.memory_space<hbm>> -> memref<10000x128xf32, #tpu.memory_space<hbm>>
        tpu.enqueue_indirect_dma source(%dma_start3A_117 : memref<10000x128xf32, #tpu.memory_space<hbm>>) target(%arg8 : memref<128x128xf32, #tpu.memory_space<vmem>>) offsets(%dma_start3A_114 : memref<128xi32, #tpu.memory_space<vmem>>) semaphore(%arg9 : memref<!tpu.dma_semaphore, #tpu.memory_space<semaphore_mem>>)
        %dma_wait3A = arith.constant 0 : i32
        %dma_wait3A_118 = tpu.memref_slice %arg6[%add3A_112, %dma_wait3A] : memref<48x128xi32, #tpu.memory_space<vmem>> -> memref<1x128xi32, #tpu.memory_space<vmem>>
        %dma_wait3A_119 = tpu.memref_squeeze %dma_wait3A_118 : memref<1x128xi32, #tpu.memory_space<vmem>> -> memref<128xi32, #tpu.memory_space<vmem>>
        %dma_wait3A_120 = arith.constant 0 : i32
        %dma_wait3A_121 = arith.constant 0 : i32
        %dma_wait3A_122 = tpu.memref_slice %arg4[%dma_wait3A_120, %dma_wait3A_121] : memref<10000x128xf32, #tpu.memory_space<hbm>> -> memref<10000x128xf32, #tpu.memory_space<hbm>>
        tpu.wait_indirect_dma semaphore(%arg9 : memref<!tpu.dma_semaphore, #tpu.memory_space<semaphore_mem>>) src(%dma_wait3A_122 : memref<10000x128xf32, #tpu.memory_space<hbm>>) dst(%arg8 : memref<128x128xf32, #tpu.memory_space<vmem>>)
        %dma_start3A_123 = arith.constant 0 : i32
        %dma_start3A_124 = tpu.memref_slice %arg7[%add3A_112, %dma_start3A_123] : memref<48x128xi32, #tpu.memory_space<vmem>> -> memref<1x128xi32, #tpu.memory_space<vmem>>
        %dma_start3A_125 = tpu.memref_squeeze %dma_start3A_124 : memref<1x128xi32, #tpu.memory_space<vmem>> -> memref<128xi32, #tpu.memory_space<vmem>>
        %dma_start3A_126 = arith.constant 0 : i32
        %dma_start3A_127 = arith.constant 0 : i32
        %dma_start3A_128 = tpu.memref_slice %arg11[%dma_start3A_126, %dma_start3A_127] : memref<10240x128xf32, #tpu.memory_space<vmem_shared>> -> memref<10240x128xf32, #tpu.memory_space<vmem_shared>>
        tpu.enqueue_indirect_dma source(%arg8 : memref<128x128xf32, #tpu.memory_space<vmem>>) target(%dma_start3A_128 : memref<10240x128xf32, #tpu.memory_space<vmem_shared>>) offsets(%dma_start3A_125 : memref<128xi32, #tpu.memory_space<vmem>>) semaphore(%arg10 : memref<!tpu.dma_semaphore, #tpu.memory_space<semaphore_mem>>) {add = true}
        %dma_wait3A_129 = arith.constant 0 : i32
        %dma_wait3A_130 = tpu.memref_slice %arg7[%add3A_112, %dma_wait3A_129] : memref<48x128xi32, #tpu.memory_space<vmem>> -> memref<1x128xi32, #tpu.memory_space<vmem>>
        %dma_wait3A_131 = tpu.memref_squeeze %dma_wait3A_130 : memref<1x128xi32, #tpu.memory_space<vmem>> -> memref<128xi32, #tpu.memory_space<vmem>>
        %dma_wait3A_132 = arith.constant 0 : i32
        %dma_wait3A_133 = arith.constant 0 : i32
        %dma_wait3A_134 = tpu.memref_slice %arg11[%dma_wait3A_132, %dma_wait3A_133] : memref<10240x128xf32, #tpu.memory_space<vmem_shared>> -> memref<10240x128xf32, #tpu.memory_space<vmem_shared>>
        tpu.wait_indirect_dma semaphore(%arg10 : memref<!tpu.dma_semaphore, #tpu.memory_space<semaphore_mem>>) src(%arg8 : memref<128x128xf32, #tpu.memory_space<vmem>>) dst(%dma_wait3A_134 : memref<10240x128xf32, #tpu.memory_space<vmem_shared>>)
        %while3A_135 = arith.constant 0 : i32
        scf.yield %while3A_135 : i32
      }
    } else {
    }
    %add3A_46 = arith.constant 40 : i32
    %add3A_47 = arith.addi %select_n3A_38, %add3A_46 : i32
    %sub3A_48 = arith.constant 40 : i32
    %sub3A_49 = arith.subi %select_n3A, %sub3A_48 : i32
    %jit3A_50 = arith.constant 0 : i32
    %jit3A_51 = arith.constant 40 : i32
    %max3A_52 = arith.maxsi %jit3A_50, %sub3A_49 : i32
    %min3A_53 = arith.minsi %jit3A_51, %max3A_52 : i32
    %gt3A_54 = arith.constant 0 : i32
    %gt3A_55 = arith.cmpi sgt, %min3A_53, %gt3A_54 : i32
    %convert_element_type3A_56 = arith.extui %gt3A_55 : i1 to i32
    %cond3A_57 = arith.constant 0 : i32
    %cond3A_58 = arith.cmpi ne, %convert_element_type3A_56, %cond3A_57 : i32
    scf.if %cond3A_58 {
      %jit3A_77 = arith.constant 8 : i32
      %div3A = arith.divsi %add3A_47, %jit3A_77 : i32
      %sign3A = arith.constant 0 : i32
      %sign3A_78 = arith.cmpi sgt, %add3A_47, %sign3A : i32
      %sign3A_79 = arith.extui %sign3A_78 : i1 to i32
      %sign3A_80 = arith.constant 0 : i32
      %sign3A_81 = arith.cmpi slt, %add3A_47, %sign3A_80 : i32
      %sign3A_82 = arith.extui %sign3A_81 : i1 to i32
      %sign3A_83 = arith.subi %sign3A_79, %sign3A_82 : i32
      %sign3A_84 = arith.constant 0 : i32
      %sign3A_85 = arith.cmpi sgt, %jit3A_77, %sign3A_84 : i32
      %sign3A_86 = arith.extui %sign3A_85 : i1 to i32
      %sign3A_87 = arith.constant 0 : i32
      %sign3A_88 = arith.cmpi slt, %jit3A_77, %sign3A_87 : i32
      %sign3A_89 = arith.extui %sign3A_88 : i1 to i32
      %sign3A_90 = arith.subi %sign3A_86, %sign3A_89 : i32
      %ne3A = arith.cmpi ne, %sign3A_83, %sign3A_90 : i32
      %rem3A = arith.remsi %add3A_47, %jit3A_77 : i32
      %ne3A_91 = arith.constant 0 : i32
      %ne3A_92 = arith.cmpi ne, %rem3A, %ne3A_91 : i32
      %and3A = arith.andi %ne3A, %ne3A_92 : i1
      %sub3A_93 = arith.constant 1 : i32
      %sub3A_94 = arith.subi %div3A, %sub3A_93 : i32
      %select_n3A_95 = arith.select %and3A, %sub3A_94, %div3A : i32
      %mul3A_96 = arith.constant 8 : i32
      %mul3A_97 = arith.muli %select_n3A_95, %mul3A_96 : i32
      %sub3A_98 = arith.subi %add3A_47, %mul3A_97 : i32
      "tpu.region"() ({
        %run_scoped3A = tpu.sem_alloc : memref<!tpu.dma_semaphore, #tpu.memory_space<semaphore_mem>>
        %dma_start3A = arith.constant 0 : i32
        %dma_start3A_110 = tpu.memref_slice %arg2[%mul3A_97, %dma_start3A] : memref<2568x128xi32, #tpu.memory_space<hbm>> -> memref<48x128xi32, #tpu.memory_space<hbm>>
        %dma_start3A_111 = arith.constant 0 : i32
        %dma_start3A_112 = tpu.memref_slice %arg2[%mul3A_97, %dma_start3A_111] : memref<2568x128xi32, #tpu.memory_space<hbm>> -> memref<48x128xi32, #tpu.memory_space<hbm>>
        tpu.enqueue_dma source(%dma_start3A_112 : memref<48x128xi32, #tpu.memory_space<hbm>>) target(%arg6 : memref<48x128xi32, #tpu.memory_space<vmem>>) target_semaphore(%run_scoped3A : memref<!tpu.dma_semaphore, #tpu.memory_space<semaphore_mem>>)
        %dma_wait3A = arith.constant 0 : i32
        %dma_wait3A_113 = tpu.memref_slice %arg2[%mul3A_97, %dma_wait3A] : memref<2568x128xi32, #tpu.memory_space<hbm>> -> memref<48x128xi32, #tpu.memory_space<hbm>>
        %dma_wait3A_114 = arith.constant 0 : i32
        %dma_wait3A_115 = tpu.memref_slice %arg2[%mul3A_97, %dma_wait3A_114] : memref<2568x128xi32, #tpu.memory_space<hbm>> -> memref<48x128xi32, #tpu.memory_space<hbm>>
        tpu.wait_dma2 semaphore(%run_scoped3A : memref<!tpu.dma_semaphore, #tpu.memory_space<semaphore_mem>>) src(%dma_wait3A_115 : memref<48x128xi32, #tpu.memory_space<hbm>>) dst(%arg6 : memref<48x128xi32, #tpu.memory_space<vmem>>)
        tpu.yield
      }) : () -> ()
      "tpu.region"() ({
        %run_scoped3A = tpu.sem_alloc : memref<!tpu.dma_semaphore, #tpu.memory_space<semaphore_mem>>
        %dma_start3A = arith.constant 0 : i32
        %dma_start3A_110 = tpu.memref_slice %arg3[%mul3A_97, %dma_start3A] : memref<2568x128xi32, #tpu.memory_space<hbm>> -> memref<48x128xi32, #tpu.memory_space<hbm>>
        %dma_start3A_111 = arith.constant 0 : i32
        %dma_start3A_112 = tpu.memref_slice %arg3[%mul3A_97, %dma_start3A_111] : memref<2568x128xi32, #tpu.memory_space<hbm>> -> memref<48x128xi32, #tpu.memory_space<hbm>>
        tpu.enqueue_dma source(%dma_start3A_112 : memref<48x128xi32, #tpu.memory_space<hbm>>) target(%arg7 : memref<48x128xi32, #tpu.memory_space<vmem>>) target_semaphore(%run_scoped3A : memref<!tpu.dma_semaphore, #tpu.memory_space<semaphore_mem>>)
        %dma_wait3A = arith.constant 0 : i32
        %dma_wait3A_113 = tpu.memref_slice %arg3[%mul3A_97, %dma_wait3A] : memref<2568x128xi32, #tpu.memory_space<hbm>> -> memref<48x128xi32, #tpu.memory_space<hbm>>
        %dma_wait3A_114 = arith.constant 0 : i32
        %dma_wait3A_115 = tpu.memref_slice %arg3[%mul3A_97, %dma_wait3A_114] : memref<2568x128xi32, #tpu.memory_space<hbm>> -> memref<48x128xi32, #tpu.memory_space<hbm>>
        tpu.wait_dma2 semaphore(%run_scoped3A : memref<!tpu.dma_semaphore, #tpu.memory_space<semaphore_mem>>) src(%dma_wait3A_115 : memref<48x128xi32, #tpu.memory_space<hbm>>) dst(%arg7 : memref<48x128xi32, #tpu.memory_space<vmem>>)
        tpu.yield
      }) : () -> ()
      %while3A = arith.constant 0 : i32
      %while3A_99 = arith.constant 0 : i32
      %while3A_100 = arith.subi %min3A_53, %while3A : i32
      %while3A_101 = arith.addi %while3A, %while3A_100 : i32
      %while3A_102 = arith.constant 1 : i32
      %while3A_103 = arith.divsi %while3A_100, %while3A_102 : i32
      %while3A_104 = arith.muli %while3A_103, %while3A_102 : i32
      %while3A_105 = arith.addi %while3A, %while3A_104 : i32
      %while3A_106 = arith.constant 1 : i32
      %while3A_107 = scf.for %while3A_110 = %while3A to %while3A_105 step %while3A_106 iter_args(%while3A_111 = %while3A_99) -> (i32)  : i32 {
        %add3A_112 = arith.addi %sub3A_98, %while3A_110 : i32
        %dma_start3A = arith.constant 0 : i32
        %dma_start3A_113 = tpu.memref_slice %arg6[%add3A_112, %dma_start3A] : memref<48x128xi32, #tpu.memory_space<vmem>> -> memref<1x128xi32, #tpu.memory_space<vmem>>
        %dma_start3A_114 = tpu.memref_squeeze %dma_start3A_113 : memref<1x128xi32, #tpu.memory_space<vmem>> -> memref<128xi32, #tpu.memory_space<vmem>>
        %dma_start3A_115 = arith.constant 0 : i32
        %dma_start3A_116 = arith.constant 0 : i32
        %dma_start3A_117 = tpu.memref_slice %arg4[%dma_start3A_115, %dma_start3A_116] : memref<10000x128xf32, #tpu.memory_space<hbm>> -> memref<10000x128xf32, #tpu.memory_space<hbm>>
        tpu.enqueue_indirect_dma source(%dma_start3A_117 : memref<10000x128xf32, #tpu.memory_space<hbm>>) target(%arg8 : memref<128x128xf32, #tpu.memory_space<vmem>>) offsets(%dma_start3A_114 : memref<128xi32, #tpu.memory_space<vmem>>) semaphore(%arg9 : memref<!tpu.dma_semaphore, #tpu.memory_space<semaphore_mem>>)
        %dma_wait3A = arith.constant 0 : i32
        %dma_wait3A_118 = tpu.memref_slice %arg6[%add3A_112, %dma_wait3A] : memref<48x128xi32, #tpu.memory_space<vmem>> -> memref<1x128xi32, #tpu.memory_space<vmem>>
        %dma_wait3A_119 = tpu.memref_squeeze %dma_wait3A_118 : memref<1x128xi32, #tpu.memory_space<vmem>> -> memref<128xi32, #tpu.memory_space<vmem>>
        %dma_wait3A_120 = arith.constant 0 : i32
        %dma_wait3A_121 = arith.constant 0 : i32
        %dma_wait3A_122 = tpu.memref_slice %arg4[%dma_wait3A_120, %dma_wait3A_121] : memref<10000x128xf32, #tpu.memory_space<hbm>> -> memref<10000x128xf32, #tpu.memory_space<hbm>>
        tpu.wait_indirect_dma semaphore(%arg9 : memref<!tpu.dma_semaphore, #tpu.memory_space<semaphore_mem>>) src(%dma_wait3A_122 : memref<10000x128xf32, #tpu.memory_space<hbm>>) dst(%arg8 : memref<128x128xf32, #tpu.memory_space<vmem>>)
        %dma_start3A_123 = arith.constant 0 : i32
        %dma_start3A_124 = tpu.memref_slice %arg7[%add3A_112, %dma_start3A_123] : memref<48x128xi32, #tpu.memory_space<vmem>> -> memref<1x128xi32, #tpu.memory_space<vmem>>
        %dma_start3A_125 = tpu.memref_squeeze %dma_start3A_124 : memref<1x128xi32, #tpu.memory_space<vmem>> -> memref<128xi32, #tpu.memory_space<vmem>>
        %dma_start3A_126 = arith.constant 0 : i32
        %dma_start3A_127 = arith.constant 0 : i32
        %dma_start3A_128 = tpu.memref_slice %arg11[%dma_start3A_126, %dma_start3A_127] : memref<10240x128xf32, #tpu.memory_space<vmem_shared>> -> memref<10240x128xf32, #tpu.memory_space<vmem_shared>>
        tpu.enqueue_indirect_dma source(%arg8 : memref<128x128xf32, #tpu.memory_space<vmem>>) target(%dma_start3A_128 : memref<10240x128xf32, #tpu.memory_space<vmem_shared>>) offsets(%dma_start3A_125 : memref<128xi32, #tpu.memory_space<vmem>>) semaphore(%arg10 : memref<!tpu.dma_semaphore, #tpu.memory_space<semaphore_mem>>) {add = true}
        %dma_wait3A_129 = arith.constant 0 : i32
        %dma_wait3A_130 = tpu.memref_slice %arg7[%add3A_112, %dma_wait3A_129] : memref<48x128xi32, #tpu.memory_space<vmem>> -> memref<1x128xi32, #tpu.memory_space<vmem>>
        %dma_wait3A_131 = tpu.memref_squeeze %dma_wait3A_130 : memref<1x128xi32, #tpu.memory_space<vmem>> -> memref<128xi32, #tpu.memory_space<vmem>>
        %dma_wait3A_132 = arith.constant 0 : i32
        %dma_wait3A_133 = arith.constant 0 : i32
        %dma_wait3A_134 = tpu.memref_slice %arg11[%dma_wait3A_132, %dma_wait3A_133] : memref<10240x128xf32, #tpu.memory_space<vmem_shared>> -> memref<10240x128xf32, #tpu.memory_space<vmem_shared>>
        tpu.wait_indirect_dma semaphore(%arg10 : memref<!tpu.dma_semaphore, #tpu.memory_space<semaphore_mem>>) src(%arg8 : memref<128x128xf32, #tpu.memory_space<vmem>>) dst(%dma_wait3A_134 : memref<10240x128xf32, #tpu.memory_space<vmem_shared>>)
        %while3A_135 = arith.constant 0 : i32
        scf.yield %while3A_135 : i32
      }
      %while3A_108 = arith.constant 1 : i32
      %while3A_109 = scf.for %while3A_110 = %while3A_105 to %while3A_101 step %while3A_108 iter_args(%while3A_111 = %while3A_107) -> (i32)  : i32 {
        %add3A_112 = arith.addi %sub3A_98, %while3A_110 : i32
        %dma_start3A = arith.constant 0 : i32
        %dma_start3A_113 = tpu.memref_slice %arg6[%add3A_112, %dma_start3A] : memref<48x128xi32, #tpu.memory_space<vmem>> -> memref<1x128xi32, #tpu.memory_space<vmem>>
        %dma_start3A_114 = tpu.memref_squeeze %dma_start3A_113 : memref<1x128xi32, #tpu.memory_space<vmem>> -> memref<128xi32, #tpu.memory_space<vmem>>
        %dma_start3A_115 = arith.constant 0 : i32
        %dma_start3A_116 = arith.constant 0 : i32
        %dma_start3A_117 = tpu.memref_slice %arg4[%dma_start3A_115, %dma_start3A_116] : memref<10000x128xf32, #tpu.memory_space<hbm>> -> memref<10000x128xf32, #tpu.memory_space<hbm>>
        tpu.enqueue_indirect_dma source(%dma_start3A_117 : memref<10000x128xf32, #tpu.memory_space<hbm>>) target(%arg8 : memref<128x128xf32, #tpu.memory_space<vmem>>) offsets(%dma_start3A_114 : memref<128xi32, #tpu.memory_space<vmem>>) semaphore(%arg9 : memref<!tpu.dma_semaphore, #tpu.memory_space<semaphore_mem>>)
        %dma_wait3A = arith.constant 0 : i32
        %dma_wait3A_118 = tpu.memref_slice %arg6[%add3A_112, %dma_wait3A] : memref<48x128xi32, #tpu.memory_space<vmem>> -> memref<1x128xi32, #tpu.memory_space<vmem>>
        %dma_wait3A_119 = tpu.memref_squeeze %dma_wait3A_118 : memref<1x128xi32, #tpu.memory_space<vmem>> -> memref<128xi32, #tpu.memory_space<vmem>>
        %dma_wait3A_120 = arith.constant 0 : i32
        %dma_wait3A_121 = arith.constant 0 : i32
        %dma_wait3A_122 = tpu.memref_slice %arg4[%dma_wait3A_120, %dma_wait3A_121] : memref<10000x128xf32, #tpu.memory_space<hbm>> -> memref<10000x128xf32, #tpu.memory_space<hbm>>
        tpu.wait_indirect_dma semaphore(%arg9 : memref<!tpu.dma_semaphore, #tpu.memory_space<semaphore_mem>>) src(%dma_wait3A_122 : memref<10000x128xf32, #tpu.memory_space<hbm>>) dst(%arg8 : memref<128x128xf32, #tpu.memory_space<vmem>>)
        %dma_start3A_123 = arith.constant 0 : i32
        %dma_start3A_124 = tpu.memref_slice %arg7[%add3A_112, %dma_start3A_123] : memref<48x128xi32, #tpu.memory_space<vmem>> -> memref<1x128xi32, #tpu.memory_space<vmem>>
        %dma_start3A_125 = tpu.memref_squeeze %dma_start3A_124 : memref<1x128xi32, #tpu.memory_space<vmem>> -> memref<128xi32, #tpu.memory_space<vmem>>
        %dma_start3A_126 = arith.constant 0 : i32
        %dma_start3A_127 = arith.constant 0 : i32
        %dma_start3A_128 = tpu.memref_slice %arg11[%dma_start3A_126, %dma_start3A_127] : memref<10240x128xf32, #tpu.memory_space<vmem_shared>> -> memref<10240x128xf32, #tpu.memory_space<vmem_shared>>
        tpu.enqueue_indirect_dma source(%arg8 : memref<128x128xf32, #tpu.memory_space<vmem>>) target(%dma_start3A_128 : memref<10240x128xf32, #tpu.memory_space<vmem_shared>>) offsets(%dma_start3A_125 : memref<128xi32, #tpu.memory_space<vmem>>) semaphore(%arg10 : memref<!tpu.dma_semaphore, #tpu.memory_space<semaphore_mem>>) {add = true}
        %dma_wait3A_129 = arith.constant 0 : i32
        %dma_wait3A_130 = tpu.memref_slice %arg7[%add3A_112, %dma_wait3A_129] : memref<48x128xi32, #tpu.memory_space<vmem>> -> memref<1x128xi32, #tpu.memory_space<vmem>>
        %dma_wait3A_131 = tpu.memref_squeeze %dma_wait3A_130 : memref<1x128xi32, #tpu.memory_space<vmem>> -> memref<128xi32, #tpu.memory_space<vmem>>
        %dma_wait3A_132 = arith.constant 0 : i32
        %dma_wait3A_133 = arith.constant 0 : i32
        %dma_wait3A_134 = tpu.memref_slice %arg11[%dma_wait3A_132, %dma_wait3A_133] : memref<10240x128xf32, #tpu.memory_space<vmem_shared>> -> memref<10240x128xf32, #tpu.memory_space<vmem_shared>>
        tpu.wait_indirect_dma semaphore(%arg10 : memref<!tpu.dma_semaphore, #tpu.memory_space<semaphore_mem>>) src(%arg8 : memref<128x128xf32, #tpu.memory_space<vmem>>) dst(%dma_wait3A_134 : memref<10240x128xf32, #tpu.memory_space<vmem_shared>>)
        %while3A_135 = arith.constant 0 : i32
        scf.yield %while3A_135 : i32
      }
    } else {
    }
    %add3A_59 = arith.constant 80 : i32
    %add3A_60 = arith.addi %select_n3A_38, %add3A_59 : i32
    %sub3A_61 = arith.constant 80 : i32
    %sub3A_62 = arith.subi %select_n3A, %sub3A_61 : i32
    %jit3A_63 = arith.constant 0 : i32
    %jit3A_64 = arith.constant 40 : i32
    %max3A_65 = arith.maxsi %jit3A_63, %sub3A_62 : i32
    %min3A_66 = arith.minsi %jit3A_64, %max3A_65 : i32
    %gt3A_67 = arith.constant 0 : i32
    %gt3A_68 = arith.cmpi sgt, %min3A_66, %gt3A_67 : i32
    %convert_element_type3A_69 = arith.extui %gt3A_68 : i1 to i32
    %cond3A_70 = arith.constant 0 : i32
    %cond3A_71 = arith.cmpi ne, %convert_element_type3A_69, %cond3A_70 : i32
    scf.if %cond3A_71 {
      %jit3A_77 = arith.constant 8 : i32
      %div3A = arith.divsi %add3A_60, %jit3A_77 : i32
      %sign3A = arith.constant 0 : i32
      %sign3A_78 = arith.cmpi sgt, %add3A_60, %sign3A : i32
      %sign3A_79 = arith.extui %sign3A_78 : i1 to i32
      %sign3A_80 = arith.constant 0 : i32
      %sign3A_81 = arith.cmpi slt, %add3A_60, %sign3A_80 : i32
      %sign3A_82 = arith.extui %sign3A_81 : i1 to i32
      %sign3A_83 = arith.subi %sign3A_79, %sign3A_82 : i32
      %sign3A_84 = arith.constant 0 : i32
      %sign3A_85 = arith.cmpi sgt, %jit3A_77, %sign3A_84 : i32
      %sign3A_86 = arith.extui %sign3A_85 : i1 to i32
      %sign3A_87 = arith.constant 0 : i32
      %sign3A_88 = arith.cmpi slt, %jit3A_77, %sign3A_87 : i32
      %sign3A_89 = arith.extui %sign3A_88 : i1 to i32
      %sign3A_90 = arith.subi %sign3A_86, %sign3A_89 : i32
      %ne3A = arith.cmpi ne, %sign3A_83, %sign3A_90 : i32
      %rem3A = arith.remsi %add3A_60, %jit3A_77 : i32
      %ne3A_91 = arith.constant 0 : i32
      %ne3A_92 = arith.cmpi ne, %rem3A, %ne3A_91 : i32
      %and3A = arith.andi %ne3A, %ne3A_92 : i1
      %sub3A_93 = arith.constant 1 : i32
      %sub3A_94 = arith.subi %div3A, %sub3A_93 : i32
      %select_n3A_95 = arith.select %and3A, %sub3A_94, %div3A : i32
      %mul3A_96 = arith.constant 8 : i32
      %mul3A_97 = arith.muli %select_n3A_95, %mul3A_96 : i32
      %sub3A_98 = arith.subi %add3A_60, %mul3A_97 : i32
      "tpu.region"() ({
        %run_scoped3A = tpu.sem_alloc : memref<!tpu.dma_semaphore, #tpu.memory_space<semaphore_mem>>
        %dma_start3A = arith.constant 0 : i32
        %dma_start3A_110 = tpu.memref_slice %arg2[%mul3A_97, %dma_start3A] : memref<2568x128xi32, #tpu.memory_space<hbm>> -> memref<48x128xi32, #tpu.memory_space<hbm>>
        %dma_start3A_111 = arith.constant 0 : i32
        %dma_start3A_112 = tpu.memref_slice %arg2[%mul3A_97, %dma_start3A_111] : memref<2568x128xi32, #tpu.memory_space<hbm>> -> memref<48x128xi32, #tpu.memory_space<hbm>>
        tpu.enqueue_dma source(%dma_start3A_112 : memref<48x128xi32, #tpu.memory_space<hbm>>) target(%arg6 : memref<48x128xi32, #tpu.memory_space<vmem>>) target_semaphore(%run_scoped3A : memref<!tpu.dma_semaphore, #tpu.memory_space<semaphore_mem>>)
        %dma_wait3A = arith.constant 0 : i32
        %dma_wait3A_113 = tpu.memref_slice %arg2[%mul3A_97, %dma_wait3A] : memref<2568x128xi32, #tpu.memory_space<hbm>> -> memref<48x128xi32, #tpu.memory_space<hbm>>
        %dma_wait3A_114 = arith.constant 0 : i32
        %dma_wait3A_115 = tpu.memref_slice %arg2[%mul3A_97, %dma_wait3A_114] : memref<2568x128xi32, #tpu.memory_space<hbm>> -> memref<48x128xi32, #tpu.memory_space<hbm>>
        tpu.wait_dma2 semaphore(%run_scoped3A : memref<!tpu.dma_semaphore, #tpu.memory_space<semaphore_mem>>) src(%dma_wait3A_115 : memref<48x128xi32, #tpu.memory_space<hbm>>) dst(%arg6 : memref<48x128xi32, #tpu.memory_space<vmem>>)
        tpu.yield
      }) : () -> ()
      "tpu.region"() ({
        %run_scoped3A = tpu.sem_alloc : memref<!tpu.dma_semaphore, #tpu.memory_space<semaphore_mem>>
        %dma_start3A = arith.constant 0 : i32
        %dma_start3A_110 = tpu.memref_slice %arg3[%mul3A_97, %dma_start3A] : memref<2568x128xi32, #tpu.memory_space<hbm>> -> memref<48x128xi32, #tpu.memory_space<hbm>>
        %dma_start3A_111 = arith.constant 0 : i32
        %dma_start3A_112 = tpu.memref_slice %arg3[%mul3A_97, %dma_start3A_111] : memref<2568x128xi32, #tpu.memory_space<hbm>> -> memref<48x128xi32, #tpu.memory_space<hbm>>
        tpu.enqueue_dma source(%dma_start3A_112 : memref<48x128xi32, #tpu.memory_space<hbm>>) target(%arg7 : memref<48x128xi32, #tpu.memory_space<vmem>>) target_semaphore(%run_scoped3A : memref<!tpu.dma_semaphore, #tpu.memory_space<semaphore_mem>>)
        %dma_wait3A = arith.constant 0 : i32
        %dma_wait3A_113 = tpu.memref_slice %arg3[%mul3A_97, %dma_wait3A] : memref<2568x128xi32, #tpu.memory_space<hbm>> -> memref<48x128xi32, #tpu.memory_space<hbm>>
        %dma_wait3A_114 = arith.constant 0 : i32
        %dma_wait3A_115 = tpu.memref_slice %arg3[%mul3A_97, %dma_wait3A_114] : memref<2568x128xi32, #tpu.memory_space<hbm>> -> memref<48x128xi32, #tpu.memory_space<hbm>>
        tpu.wait_dma2 semaphore(%run_scoped3A : memref<!tpu.dma_semaphore, #tpu.memory_space<semaphore_mem>>) src(%dma_wait3A_115 : memref<48x128xi32, #tpu.memory_space<hbm>>) dst(%arg7 : memref<48x128xi32, #tpu.memory_space<vmem>>)
        tpu.yield
      }) : () -> ()
      %while3A = arith.constant 0 : i32
      %while3A_99 = arith.constant 0 : i32
      %while3A_100 = arith.subi %min3A_66, %while3A : i32
      %while3A_101 = arith.addi %while3A, %while3A_100 : i32
      %while3A_102 = arith.constant 1 : i32
      %while3A_103 = arith.divsi %while3A_100, %while3A_102 : i32
      %while3A_104 = arith.muli %while3A_103, %while3A_102 : i32
      %while3A_105 = arith.addi %while3A, %while3A_104 : i32
      %while3A_106 = arith.constant 1 : i32
      %while3A_107 = scf.for %while3A_110 = %while3A to %while3A_105 step %while3A_106 iter_args(%while3A_111 = %while3A_99) -> (i32)  : i32 {
        %add3A_112 = arith.addi %sub3A_98, %while3A_110 : i32
        %dma_start3A = arith.constant 0 : i32
        %dma_start3A_113 = tpu.memref_slice %arg6[%add3A_112, %dma_start3A] : memref<48x128xi32, #tpu.memory_space<vmem>> -> memref<1x128xi32, #tpu.memory_space<vmem>>
        %dma_start3A_114 = tpu.memref_squeeze %dma_start3A_113 : memref<1x128xi32, #tpu.memory_space<vmem>> -> memref<128xi32, #tpu.memory_space<vmem>>
        %dma_start3A_115 = arith.constant 0 : i32
        %dma_start3A_116 = arith.constant 0 : i32
        %dma_start3A_117 = tpu.memref_slice %arg4[%dma_start3A_115, %dma_start3A_116] : memref<10000x128xf32, #tpu.memory_space<hbm>> -> memref<10000x128xf32, #tpu.memory_space<hbm>>
        tpu.enqueue_indirect_dma source(%dma_start3A_117 : memref<10000x128xf32, #tpu.memory_space<hbm>>) target(%arg8 : memref<128x128xf32, #tpu.memory_space<vmem>>) offsets(%dma_start3A_114 : memref<128xi32, #tpu.memory_space<vmem>>) semaphore(%arg9 : memref<!tpu.dma_semaphore, #tpu.memory_space<semaphore_mem>>)
        %dma_wait3A = arith.constant 0 : i32
        %dma_wait3A_118 = tpu.memref_slice %arg6[%add3A_112, %dma_wait3A] : memref<48x128xi32, #tpu.memory_space<vmem>> -> memref<1x128xi32, #tpu.memory_space<vmem>>
        %dma_wait3A_119 = tpu.memref_squeeze %dma_wait3A_118 : memref<1x128xi32, #tpu.memory_space<vmem>> -> memref<128xi32, #tpu.memory_space<vmem>>
        %dma_wait3A_120 = arith.constant 0 : i32
        %dma_wait3A_121 = arith.constant 0 : i32
        %dma_wait3A_122 = tpu.memref_slice %arg4[%dma_wait3A_120, %dma_wait3A_121] : memref<10000x128xf32, #tpu.memory_space<hbm>> -> memref<10000x128xf32, #tpu.memory_space<hbm>>
        tpu.wait_indirect_dma semaphore(%arg9 : memref<!tpu.dma_semaphore, #tpu.memory_space<semaphore_mem>>) src(%dma_wait3A_122 : memref<10000x128xf32, #tpu.memory_space<hbm>>) dst(%arg8 : memref<128x128xf32, #tpu.memory_space<vmem>>)
        %dma_start3A_123 = arith.constant 0 : i32
        %dma_start3A_124 = tpu.memref_slice %arg7[%add3A_112, %dma_start3A_123] : memref<48x128xi32, #tpu.memory_space<vmem>> -> memref<1x128xi32, #tpu.memory_space<vmem>>
        %dma_start3A_125 = tpu.memref_squeeze %dma_start3A_124 : memref<1x128xi32, #tpu.memory_space<vmem>> -> memref<128xi32, #tpu.memory_space<vmem>>
        %dma_start3A_126 = arith.constant 0 : i32
        %dma_start3A_127 = arith.constant 0 : i32
        %dma_start3A_128 = tpu.memref_slice %arg11[%dma_start3A_126, %dma_start3A_127] : memref<10240x128xf32, #tpu.memory_space<vmem_shared>> -> memref<10240x128xf32, #tpu.memory_space<vmem_shared>>
        tpu.enqueue_indirect_dma source(%arg8 : memref<128x128xf32, #tpu.memory_space<vmem>>) target(%dma_start3A_128 : memref<10240x128xf32, #tpu.memory_space<vmem_shared>>) offsets(%dma_start3A_125 : memref<128xi32, #tpu.memory_space<vmem>>) semaphore(%arg10 : memref<!tpu.dma_semaphore, #tpu.memory_space<semaphore_mem>>) {add = true}
        %dma_wait3A_129 = arith.constant 0 : i32
        %dma_wait3A_130 = tpu.memref_slice %arg7[%add3A_112, %dma_wait3A_129] : memref<48x128xi32, #tpu.memory_space<vmem>> -> memref<1x128xi32, #tpu.memory_space<vmem>>
        %dma_wait3A_131 = tpu.memref_squeeze %dma_wait3A_130 : memref<1x128xi32, #tpu.memory_space<vmem>> -> memref<128xi32, #tpu.memory_space<vmem>>
        %dma_wait3A_132 = arith.constant 0 : i32
        %dma_wait3A_133 = arith.constant 0 : i32
        %dma_wait3A_134 = tpu.memref_slice %arg11[%dma_wait3A_132, %dma_wait3A_133] : memref<10240x128xf32, #tpu.memory_space<vmem_shared>> -> memref<10240x128xf32, #tpu.memory_space<vmem_shared>>
        tpu.wait_indirect_dma semaphore(%arg10 : memref<!tpu.dma_semaphore, #tpu.memory_space<semaphore_mem>>) src(%arg8 : memref<128x128xf32, #tpu.memory_space<vmem>>) dst(%dma_wait3A_134 : memref<10240x128xf32, #tpu.memory_space<vmem_shared>>)
        %while3A_135 = arith.constant 0 : i32
        scf.yield %while3A_135 : i32
      }
      %while3A_108 = arith.constant 1 : i32
      %while3A_109 = scf.for %while3A_110 = %while3A_105 to %while3A_101 step %while3A_108 iter_args(%while3A_111 = %while3A_107) -> (i32)  : i32 {
        %add3A_112 = arith.addi %sub3A_98, %while3A_110 : i32
        %dma_start3A = arith.constant 0 : i32
        %dma_start3A_113 = tpu.memref_slice %arg6[%add3A_112, %dma_start3A] : memref<48x128xi32, #tpu.memory_space<vmem>> -> memref<1x128xi32, #tpu.memory_space<vmem>>
        %dma_start3A_114 = tpu.memref_squeeze %dma_start3A_113 : memref<1x128xi32, #tpu.memory_space<vmem>> -> memref<128xi32, #tpu.memory_space<vmem>>
        %dma_start3A_115 = arith.constant 0 : i32
        %dma_start3A_116 = arith.constant 0 : i32
        %dma_start3A_117 = tpu.memref_slice %arg4[%dma_start3A_115, %dma_start3A_116] : memref<10000x128xf32, #tpu.memory_space<hbm>> -> memref<10000x128xf32, #tpu.memory_space<hbm>>
        tpu.enqueue_indirect_dma source(%dma_start3A_117 : memref<10000x128xf32, #tpu.memory_space<hbm>>) target(%arg8 : memref<128x128xf32, #tpu.memory_space<vmem>>) offsets(%dma_start3A_114 : memref<128xi32, #tpu.memory_space<vmem>>) semaphore(%arg9 : memref<!tpu.dma_semaphore, #tpu.memory_space<semaphore_mem>>)
        %dma_wait3A = arith.constant 0 : i32
        %dma_wait3A_118 = tpu.memref_slice %arg6[%add3A_112, %dma_wait3A] : memref<48x128xi32, #tpu.memory_space<vmem>> -> memref<1x128xi32, #tpu.memory_space<vmem>>
        %dma_wait3A_119 = tpu.memref_squeeze %dma_wait3A_118 : memref<1x128xi32, #tpu.memory_space<vmem>> -> memref<128xi32, #tpu.memory_space<vmem>>
        %dma_wait3A_120 = arith.constant 0 : i32
        %dma_wait3A_121 = arith.constant 0 : i32
        %dma_wait3A_122 = tpu.memref_slice %arg4[%dma_wait3A_120, %dma_wait3A_121] : memref<10000x128xf32, #tpu.memory_space<hbm>> -> memref<10000x128xf32, #tpu.memory_space<hbm>>
        tpu.wait_indirect_dma semaphore(%arg9 : memref<!tpu.dma_semaphore, #tpu.memory_space<semaphore_mem>>) src(%dma_wait3A_122 : memref<10000x128xf32, #tpu.memory_space<hbm>>) dst(%arg8 : memref<128x128xf32, #tpu.memory_space<vmem>>)
        %dma_start3A_123 = arith.constant 0 : i32
        %dma_start3A_124 = tpu.memref_slice %arg7[%add3A_112, %dma_start3A_123] : memref<48x128xi32, #tpu.memory_space<vmem>> -> memref<1x128xi32, #tpu.memory_space<vmem>>
        %dma_start3A_125 = tpu.memref_squeeze %dma_start3A_124 : memref<1x128xi32, #tpu.memory_space<vmem>> -> memref<128xi32, #tpu.memory_space<vmem>>
        %dma_start3A_126 = arith.constant 0 : i32
        %dma_start3A_127 = arith.constant 0 : i32
        %dma_start3A_128 = tpu.memref_slice %arg11[%dma_start3A_126, %dma_start3A_127] : memref<10240x128xf32, #tpu.memory_space<vmem_shared>> -> memref<10240x128xf32, #tpu.memory_space<vmem_shared>>
        tpu.enqueue_indirect_dma source(%arg8 : memref<128x128xf32, #tpu.memory_space<vmem>>) target(%dma_start3A_128 : memref<10240x128xf32, #tpu.memory_space<vmem_shared>>) offsets(%dma_start3A_125 : memref<128xi32, #tpu.memory_space<vmem>>) semaphore(%arg10 : memref<!tpu.dma_semaphore, #tpu.memory_space<semaphore_mem>>) {add = true}
        %dma_wait3A_129 = arith.constant 0 : i32
        %dma_wait3A_130 = tpu.memref_slice %arg7[%add3A_112, %dma_wait3A_129] : memref<48x128xi32, #tpu.memory_space<vmem>> -> memref<1x128xi32, #tpu.memory_space<vmem>>
        %dma_wait3A_131 = tpu.memref_squeeze %dma_wait3A_130 : memref<1x128xi32, #tpu.memory_space<vmem>> -> memref<128xi32, #tpu.memory_space<vmem>>
        %dma_wait3A_132 = arith.constant 0 : i32
        %dma_wait3A_133 = arith.constant 0 : i32
        %dma_wait3A_134 = tpu.memref_slice %arg11[%dma_wait3A_132, %dma_wait3A_133] : memref<10240x128xf32, #tpu.memory_space<vmem_shared>> -> memref<10240x128xf32, #tpu.memory_space<vmem_shared>>
        tpu.wait_indirect_dma semaphore(%arg10 : memref<!tpu.dma_semaphore, #tpu.memory_space<semaphore_mem>>) src(%arg8 : memref<128x128xf32, #tpu.memory_space<vmem>>) dst(%dma_wait3A_134 : memref<10240x128xf32, #tpu.memory_space<vmem_shared>>)
        %while3A_135 = arith.constant 0 : i32
        scf.yield %while3A_135 : i32
      }
    } else {
    }
    %barrier3A_72 = arith.constant 0 : index
    tpu.barrier barrier_id(%barrier3A_72)
    %mul3A_73 = arith.constant 640 : i32
    %mul3A_74 = arith.muli %arg1, %mul3A_73 : i32
    %mul3A_75 = arith.constant 640 : i32
    %mul3A_76 = arith.muli %arg1, %mul3A_75 : i32
    "tpu.region"() ({
      %run_scoped3A = tpu.sem_alloc : memref<!tpu.dma_semaphore, #tpu.memory_space<semaphore_mem>>
      %dma_start3A = arith.constant 0 : i32
      %dma_start3A_77 = tpu.memref_slice %arg5[%arg0, %mul3A_76, %dma_start3A] : memref<2x10240x128xf32, #tpu.memory_space<hbm>> -> memref<1x640x128xf32, #tpu.memory_space<hbm>>
      %dma_start3A_78 = tpu.memref_squeeze %dma_start3A_77 : memref<1x640x128xf32, #tpu.memory_space<hbm>> -> memref<640x128xf32, #tpu.memory_space<hbm>>
      %dma_start3A_79 = arith.constant 0 : i32
      %dma_start3A_80 = tpu.memref_slice %arg11[%mul3A_74, %dma_start3A_79] : memref<10240x128xf32, #tpu.memory_space<vmem_shared>> -> memref<640x128xf32, #tpu.memory_space<vmem_shared>>
      tpu.enqueue_dma source(%dma_start3A_80 : memref<640x128xf32, #tpu.memory_space<vmem_shared>>) target(%dma_start3A_78 : memref<640x128xf32, #tpu.memory_space<hbm>>) target_semaphore(%run_scoped3A : memref<!tpu.dma_semaphore, #tpu.memory_space<semaphore_mem>>)
      %dma_wait3A = arith.constant 0 : i32
      %dma_wait3A_81 = tpu.memref_slice %arg5[%arg0, %mul3A_76, %dma_wait3A] : memref<2x10240x128xf32, #tpu.memory_space<hbm>> -> memref<1x640x128xf32, #tpu.memory_space<hbm>>
      %dma_wait3A_82 = tpu.memref_squeeze %dma_wait3A_81 : memref<1x640x128xf32, #tpu.memory_space<hbm>> -> memref<640x128xf32, #tpu.memory_space<hbm>>
      %dma_wait3A_83 = arith.constant 0 : i32
      %dma_wait3A_84 = tpu.memref_slice %arg11[%mul3A_74, %dma_wait3A_83] : memref<10240x128xf32, #tpu.memory_space<vmem_shared>> -> memref<640x128xf32, #tpu.memory_space<vmem_shared>>
      tpu.wait_dma2 semaphore(%run_scoped3A : memref<!tpu.dma_semaphore, #tpu.memory_space<semaphore_mem>>) src(%dma_wait3A_84 : memref<640x128xf32, #tpu.memory_space<vmem_shared>>) dst(%dma_wait3A_82 : memref<640x128xf32, #tpu.memory_space<hbm>>)
      tpu.yield
    }) : () -> ()
    return
  }
}

#map = affine_map<(d0, d1) -> (0, 0, 0)>
#map1 = affine_map<(d0, d1) -> (0, 0)>
module attributes {stable_mosaic.version = 14 : i64} {
  func.func @_k1_body(%arg0: i32, %arg1: i32, %arg2: memref<32x79x128xi32, #tpu.memory_space<hbm>>, %arg3: memref<128x128xf32, #tpu.memory_space<hbm>>, %arg4: memref<2x10240x128xf32, #tpu.memory_space<hbm>>, %arg5: memref<79x128xi32, #tpu.memory_space<vmem>>, %arg6: memref<128x128xf32, #tpu.memory_space<vmem>>, %arg7: memref<!tpu.dma_semaphore, #tpu.memory_space<semaphore_mem>>, %arg8: memref<10240x128xf32, #tpu.memory_space<vmem_shared>>) attributes {dimension_semantics = [#tpu.dimension_semantics<core_parallel>, #tpu.dimension_semantics<subcore_parallel>], iteration_bounds = array<i64: 2, 16>, scalar_prefetch = 0 : i64, scratch_operands = 4 : i64, tpu.core_type = #tpu.core_type<sc_vector_subcore>, window_params = [{transform_indices = #map}, {transform_indices = #map1}, {transform_indices = #map}]} {
    %mul3A = arith.constant 16 : i32
    %mul3A_0 = arith.muli %arg0, %mul3A : i32
    %add3A = arith.addi %mul3A_0, %arg1 : i32
    %broadcast_in_dim3A = arith.constant 0.000000e+00 : f32
    %broadcast_in_dim3A_1 = vector.broadcast %broadcast_in_dim3A : f32 to vector<16xf32>
    %scan3A = arith.constant 0 : i32
    %scan3A_2 = arith.constant 0 : i32
    %scan3A_3 = arith.constant 1024 : i32
    %scan3A_4 = arith.addi %scan3A_2, %scan3A_3 : i32
    %scan3A_5 = arith.constant 1 : i32
    %scan3A_6 = scf.for %scan3A_80 = %scan3A_2 to %scan3A_4 step %scan3A_5 iter_args(%scan3A_81 = %scan3A) -> (i32)  : i32 {
      %jit3A = arith.constant 8 : i32
      %div3A = arith.divsi %scan3A_80, %jit3A : i32
      %sign3A = arith.constant 0 : i32
      %sign3A_82 = arith.cmpi sgt, %scan3A_80, %sign3A : i32
      %sign3A_83 = arith.extui %sign3A_82 : i1 to i32
      %sign3A_84 = arith.constant 0 : i32
      %sign3A_85 = arith.cmpi slt, %scan3A_80, %sign3A_84 : i32
      %sign3A_86 = arith.extui %sign3A_85 : i1 to i32
      %sign3A_87 = arith.subi %sign3A_83, %sign3A_86 : i32
      %sign3A_88 = arith.constant 0 : i32
      %sign3A_89 = arith.cmpi sgt, %jit3A, %sign3A_88 : i32
      %sign3A_90 = arith.extui %sign3A_89 : i1 to i32
      %sign3A_91 = arith.constant 0 : i32
      %sign3A_92 = arith.cmpi slt, %jit3A, %sign3A_91 : i32
      %sign3A_93 = arith.extui %sign3A_92 : i1 to i32
      %sign3A_94 = arith.subi %sign3A_90, %sign3A_93 : i32
      %ne3A = arith.cmpi ne, %sign3A_87, %sign3A_94 : i32
      %rem3A = arith.remsi %scan3A_80, %jit3A : i32
      %ne3A_95 = arith.constant 0 : i32
      %ne3A_96 = arith.cmpi ne, %rem3A, %ne3A_95 : i32
      %and3A = arith.andi %ne3A, %ne3A_96 : i1
      %sub3A = arith.constant 1 : i32
      %sub3A_97 = arith.subi %div3A, %sub3A : i32
      %select_n3A = arith.select %and3A, %sub3A_97, %div3A : i32
      %jit3A_98 = arith.constant 8 : i32
      %eq3A = arith.constant 0 : i32
      %eq3A_99 = arith.cmpi eq, %jit3A_98, %eq3A : i32
      %jit3A_100 = arith.constant 1 : i32
      %select_n3A_101 = arith.select %eq3A_99, %jit3A_100, %jit3A_98 : i32
      %rem3A_102 = arith.remsi %scan3A_80, %select_n3A_101 : i32
      %ne3A_103 = arith.constant 0 : i32
      %ne3A_104 = arith.cmpi ne, %rem3A_102, %ne3A_103 : i32
      %lt3A = arith.constant 0 : i32
      %lt3A_105 = arith.cmpi slt, %rem3A_102, %lt3A : i32
      %lt3A_106 = arith.constant 0 : i32
      %lt3A_107 = arith.cmpi slt, %select_n3A_101, %lt3A_106 : i32
      %ne3A_108 = arith.xori %lt3A_105, %lt3A_107 : i1
      %and3A_109 = arith.andi %ne3A_108, %ne3A_104 : i1
      %add3A_110 = arith.addi %rem3A_102, %select_n3A_101 : i32
      %select_n3A_111 = arith.select %and3A_109, %add3A_110, %rem3A_102 : i32
      %mul3A_112 = arith.constant 16 : i32
      %mul3A_113 = arith.muli %select_n3A_111, %mul3A_112 : i32
      %swap3A = arith.index_cast %select_n3A : i32 to index
      %swap3A_114 = arith.index_cast %mul3A_113 : i32 to index
      %swap3A_115 = tpu.vector_load %arg6[%swap3A, %swap3A_114] {strides = array<i32>} : memref<128x128xf32, #tpu.memory_space<vmem>>, vector<1x16xf32>,
      %swap3A_116 = vector.shape_cast %swap3A_115 : vector<1x16xf32> to vector<16xf32>
      %swap3A_117 = vector.shape_cast %broadcast_in_dim3A_1 : vector<16xf32> to vector<1x16xf32>
      tpu.vector_store %arg6[%swap3A, %swap3A_114], %swap3A_117 {strides = array<i32>} : memref<128x128xf32, #tpu.memory_space<vmem>>, vector<1x16xf32>,
      %scan3A_118 = arith.constant 0 : i32
      scf.yield %scan3A_118 : i32
    }
    %scan3A_7 = arith.constant 1024 : i32
    %mul3A_8 = arith.constant 640 : i32
    %mul3A_9 = arith.muli %arg1, %mul3A_8 : i32
    %add3A_10 = arith.constant 0 : i32
    %add3A_11 = arith.addi %mul3A_9, %add3A_10 : i32
    "tpu.region"() ({
      %run_scoped3A = tpu.sem_alloc : memref<!tpu.dma_semaphore, #tpu.memory_space<semaphore_mem>>
      %dma_start3A_80 = arith.constant 0 : i32
      %dma_start3A_81 = tpu.memref_slice %arg8[%add3A_11, %dma_start3A_80] : memref<10240x128xf32, #tpu.memory_space<vmem_shared>> -> memref<128x128xf32, #tpu.memory_space<vmem_shared>>
      %dma_start3A_82 = arith.constant 0 : i32
      %dma_start3A_83 = tpu.memref_slice %arg8[%add3A_11, %dma_start3A_82] : memref<10240x128xf32, #tpu.memory_space<vmem_shared>> -> memref<128x128xf32, #tpu.memory_space<vmem_shared>>
      tpu.enqueue_dma source(%arg6 : memref<128x128xf32, #tpu.memory_space<vmem>>) target(%dma_start3A_83 : memref<128x128xf32, #tpu.memory_space<vmem_shared>>) target_semaphore(%run_scoped3A : memref<!tpu.dma_semaphore, #tpu.memory_space<semaphore_mem>>)
      %dma_wait3A_84 = arith.constant 0 : i32
      %dma_wait3A_85 = tpu.memref_slice %arg8[%add3A_11, %dma_wait3A_84] : memref<10240x128xf32, #tpu.memory_space<vmem_shared>> -> memref<128x128xf32, #tpu.memory_space<vmem_shared>>
      %dma_wait3A_86 = arith.constant 0 : i32
      %dma_wait3A_87 = tpu.memref_slice %arg8[%add3A_11, %dma_wait3A_86] : memref<10240x128xf32, #tpu.memory_space<vmem_shared>> -> memref<128x128xf32, #tpu.memory_space<vmem_shared>>
      tpu.wait_dma2 semaphore(%run_scoped3A : memref<!tpu.dma_semaphore, #tpu.memory_space<semaphore_mem>>) src(%arg6 : memref<128x128xf32, #tpu.memory_space<vmem>>) dst(%dma_wait3A_87 : memref<128x128xf32, #tpu.memory_space<vmem_shared>>)
      tpu.yield
    }) : () -> ()
    %mul3A_12 = arith.constant 640 : i32
    %mul3A_13 = arith.muli %arg1, %mul3A_12 : i32
    %add3A_14 = arith.constant 128 : i32
    %add3A_15 = arith.addi %mul3A_13, %add3A_14 : i32
    "tpu.region"() ({
      %run_scoped3A = tpu.sem_alloc : memref<!tpu.dma_semaphore, #tpu.memory_space<semaphore_mem>>
      %dma_start3A_80 = arith.constant 0 : i32
      %dma_start3A_81 = tpu.memref_slice %arg8[%add3A_15, %dma_start3A_80] : memref<10240x128xf32, #tpu.memory_space<vmem_shared>> -> memref<128x128xf32, #tpu.memory_space<vmem_shared>>
      %dma_start3A_82 = arith.constant 0 : i32
      %dma_start3A_83 = tpu.memref_slice %arg8[%add3A_15, %dma_start3A_82] : memref<10240x128xf32, #tpu.memory_space<vmem_shared>> -> memref<128x128xf32, #tpu.memory_space<vmem_shared>>
      tpu.enqueue_dma source(%arg6 : memref<128x128xf32, #tpu.memory_space<vmem>>) target(%dma_start3A_83 : memref<128x128xf32, #tpu.memory_space<vmem_shared>>) target_semaphore(%run_scoped3A : memref<!tpu.dma_semaphore, #tpu.memory_space<semaphore_mem>>)
      %dma_wait3A_84 = arith.constant 0 : i32
      %dma_wait3A_85 = tpu.memref_slice %arg8[%add3A_15, %dma_wait3A_84] : memref<10240x128xf32, #tpu.memory_space<vmem_shared>> -> memref<128x128xf32, #tpu.memory_space<vmem_shared>>
      %dma_wait3A_86 = arith.constant 0 : i32
      %dma_wait3A_87 = tpu.memref_slice %arg8[%add3A_15, %dma_wait3A_86] : memref<10240x128xf32, #tpu.memory_space<vmem_shared>> -> memref<128x128xf32, #tpu.memory_space<vmem_shared>>
      tpu.wait_dma2 semaphore(%run_scoped3A : memref<!tpu.dma_semaphore, #tpu.memory_space<semaphore_mem>>) src(%arg6 : memref<128x128xf32, #tpu.memory_space<vmem>>) dst(%dma_wait3A_87 : memref<128x128xf32, #tpu.memory_space<vmem_shared>>)
      tpu.yield
    }) : () -> ()
    %mul3A_16 = arith.constant 640 : i32
    %mul3A_17 = arith.muli %arg1, %mul3A_16 : i32
    %add3A_18 = arith.constant 256 : i32
    %add3A_19 = arith.addi %mul3A_17, %add3A_18 : i32
    "tpu.region"() ({
      %run_scoped3A = tpu.sem_alloc : memref<!tpu.dma_semaphore, #tpu.memory_space<semaphore_mem>>
      %dma_start3A_80 = arith.constant 0 : i32
      %dma_start3A_81 = tpu.memref_slice %arg8[%add3A_19, %dma_start3A_80] : memref<10240x128xf32, #tpu.memory_space<vmem_shared>> -> memref<128x128xf32, #tpu.memory_space<vmem_shared>>
      %dma_start3A_82 = arith.constant 0 : i32
      %dma_start3A_83 = tpu.memref_slice %arg8[%add3A_19, %dma_start3A_82] : memref<10240x128xf32, #tpu.memory_space<vmem_shared>> -> memref<128x128xf32, #tpu.memory_space<vmem_shared>>
      tpu.enqueue_dma source(%arg6 : memref<128x128xf32, #tpu.memory_space<vmem>>) target(%dma_start3A_83 : memref<128x128xf32, #tpu.memory_space<vmem_shared>>) target_semaphore(%run_scoped3A : memref<!tpu.dma_semaphore, #tpu.memory_space<semaphore_mem>>)
      %dma_wait3A_84 = arith.constant 0 : i32
      %dma_wait3A_85 = tpu.memref_slice %arg8[%add3A_19, %dma_wait3A_84] : memref<10240x128xf32, #tpu.memory_space<vmem_shared>> -> memref<128x128xf32, #tpu.memory_space<vmem_shared>>
      %dma_wait3A_86 = arith.constant 0 : i32
      %dma_wait3A_87 = tpu.memref_slice %arg8[%add3A_19, %dma_wait3A_86] : memref<10240x128xf32, #tpu.memory_space<vmem_shared>> -> memref<128x128xf32, #tpu.memory_space<vmem_shared>>
      tpu.wait_dma2 semaphore(%run_scoped3A : memref<!tpu.dma_semaphore, #tpu.memory_space<semaphore_mem>>) src(%arg6 : memref<128x128xf32, #tpu.memory_space<vmem>>) dst(%dma_wait3A_87 : memref<128x128xf32, #tpu.memory_space<vmem_shared>>)
      tpu.yield
    }) : () -> ()
    %mul3A_20 = arith.constant 640 : i32
    %mul3A_21 = arith.muli %arg1, %mul3A_20 : i32
    %add3A_22 = arith.constant 384 : i32
    %add3A_23 = arith.addi %mul3A_21, %add3A_22 : i32
    "tpu.region"() ({
      %run_scoped3A = tpu.sem_alloc : memref<!tpu.dma_semaphore, #tpu.memory_space<semaphore_mem>>
      %dma_start3A_80 = arith.constant 0 : i32
      %dma_start3A_81 = tpu.memref_slice %arg8[%add3A_23, %dma_start3A_80] : memref<10240x128xf32, #tpu.memory_space<vmem_shared>> -> memref<128x128xf32, #tpu.memory_space<vmem_shared>>
      %dma_start3A_82 = arith.constant 0 : i32
      %dma_start3A_83 = tpu.memref_slice %arg8[%add3A_23, %dma_start3A_82] : memref<10240x128xf32, #tpu.memory_space<vmem_shared>> -> memref<128x128xf32, #tpu.memory_space<vmem_shared>>
      tpu.enqueue_dma source(%arg6 : memref<128x128xf32, #tpu.memory_space<vmem>>) target(%dma_start3A_83 : memref<128x128xf32, #tpu.memory_space<vmem_shared>>) target_semaphore(%run_scoped3A : memref<!tpu.dma_semaphore, #tpu.memory_space<semaphore_mem>>)
      %dma_wait3A_84 = arith.constant 0 : i32
      %dma_wait3A_85 = tpu.memref_slice %arg8[%add3A_23, %dma_wait3A_84] : memref<10240x128xf32, #tpu.memory_space<vmem_shared>> -> memref<128x128xf32, #tpu.memory_space<vmem_shared>>
      %dma_wait3A_86 = arith.constant 0 : i32
      %dma_wait3A_87 = tpu.memref_slice %arg8[%add3A_23, %dma_wait3A_86] : memref<10240x128xf32, #tpu.memory_space<vmem_shared>> -> memref<128x128xf32, #tpu.memory_space<vmem_shared>>
      tpu.wait_dma2 semaphore(%run_scoped3A : memref<!tpu.dma_semaphore, #tpu.memory_space<semaphore_mem>>) src(%arg6 : memref<128x128xf32, #tpu.memory_space<vmem>>) dst(%dma_wait3A_87 : memref<128x128xf32, #tpu.memory_space<vmem_shared>>)
      tpu.yield
    }) : () -> ()
    %mul3A_24 = arith.constant 640 : i32
    %mul3A_25 = arith.muli %arg1, %mul3A_24 : i32
    %add3A_26 = arith.constant 512 : i32
    %add3A_27 = arith.addi %mul3A_25, %add3A_26 : i32
    "tpu.region"() ({
      %run_scoped3A = tpu.sem_alloc : memref<!tpu.dma_semaphore, #tpu.memory_space<semaphore_mem>>
      %dma_start3A_80 = arith.constant 0 : i32
      %dma_start3A_81 = tpu.memref_slice %arg8[%add3A_27, %dma_start3A_80] : memref<10240x128xf32, #tpu.memory_space<vmem_shared>> -> memref<128x128xf32, #tpu.memory_space<vmem_shared>>
      %dma_start3A_82 = arith.constant 0 : i32
      %dma_start3A_83 = tpu.memref_slice %arg8[%add3A_27, %dma_start3A_82] : memref<10240x128xf32, #tpu.memory_space<vmem_shared>> -> memref<128x128xf32, #tpu.memory_space<vmem_shared>>
      tpu.enqueue_dma source(%arg6 : memref<128x128xf32, #tpu.memory_space<vmem>>) target(%dma_start3A_83 : memref<128x128xf32, #tpu.memory_space<vmem_shared>>) target_semaphore(%run_scoped3A : memref<!tpu.dma_semaphore, #tpu.memory_space<semaphore_mem>>)
      %dma_wait3A_84 = arith.constant 0 : i32
      %dma_wait3A_85 = tpu.memref_slice %arg8[%add3A_27, %dma_wait3A_84] : memref<10240x128xf32, #tpu.memory_space<vmem_shared>> -> memref<128x128xf32, #tpu.memory_space<vmem_shared>>
      %dma_wait3A_86 = arith.constant 0 : i32
      %dma_wait3A_87 = tpu.memref_slice %arg8[%add3A_27, %dma_wait3A_86] : memref<10240x128xf32, #tpu.memory_space<vmem_shared>> -> memref<128x128xf32, #tpu.memory_space<vmem_shared>>
      tpu.wait_dma2 semaphore(%run_scoped3A : memref<!tpu.dma_semaphore, #tpu.memory_space<semaphore_mem>>) src(%arg6 : memref<128x128xf32, #tpu.memory_space<vmem>>) dst(%dma_wait3A_87 : memref<128x128xf32, #tpu.memory_space<vmem_shared>>)
      tpu.yield
    }) : () -> ()
    "tpu.region"() ({
      %run_scoped3A = tpu.sem_alloc : memref<!tpu.dma_semaphore, #tpu.memory_space<semaphore_mem>>
      tpu.enqueue_dma source(%arg3 : memref<128x128xf32, #tpu.memory_space<hbm>>) target(%arg6 : memref<128x128xf32, #tpu.memory_space<vmem>>) target_semaphore(%run_scoped3A : memref<!tpu.dma_semaphore, #tpu.memory_space<semaphore_mem>>)
      tpu.wait_dma2 semaphore(%run_scoped3A : memref<!tpu.dma_semaphore, #tpu.memory_space<semaphore_mem>>) src(%arg3 : memref<128x128xf32, #tpu.memory_space<hbm>>) dst(%arg6 : memref<128x128xf32, #tpu.memory_space<vmem>>)
      tpu.yield
    }) : () -> ()
    "tpu.region"() ({
      %run_scoped3A = tpu.sem_alloc : memref<!tpu.dma_semaphore, #tpu.memory_space<semaphore_mem>>
      %dma_start3A_80 = arith.constant 0 : i32
      %dma_start3A_81 = arith.constant 0 : i32
      %dma_start3A_82 = tpu.memref_slice %arg2[%add3A, %dma_start3A_80, %dma_start3A_81] : memref<32x79x128xi32, #tpu.memory_space<hbm>> -> memref<1x79x128xi32, #tpu.memory_space<hbm>>
      %dma_start3A_83 = tpu.memref_squeeze %dma_start3A_82 : memref<1x79x128xi32, #tpu.memory_space<hbm>> -> memref<79x128xi32, #tpu.memory_space<hbm>>
      %dma_start3A_84 = arith.constant 0 : i32
      %dma_start3A_85 = arith.constant 0 : i32
      %dma_start3A_86 = tpu.memref_slice %arg2[%add3A, %dma_start3A_84, %dma_start3A_85] : memref<32x79x128xi32, #tpu.memory_space<hbm>> -> memref<1x79x128xi32, #tpu.memory_space<hbm>>
      %dma_start3A_87 = tpu.memref_squeeze %dma_start3A_86 : memref<1x79x128xi32, #tpu.memory_space<hbm>> -> memref<79x128xi32, #tpu.memory_space<hbm>>
      tpu.enqueue_dma source(%dma_start3A_87 : memref<79x128xi32, #tpu.memory_space<hbm>>) target(%arg5 : memref<79x128xi32, #tpu.memory_space<vmem>>) target_semaphore(%run_scoped3A : memref<!tpu.dma_semaphore, #tpu.memory_space<semaphore_mem>>)
      %dma_wait3A_88 = arith.constant 0 : i32
      %dma_wait3A_89 = arith.constant 0 : i32
      %dma_wait3A_90 = tpu.memref_slice %arg2[%add3A, %dma_wait3A_88, %dma_wait3A_89] : memref<32x79x128xi32, #tpu.memory_space<hbm>> -> memref<1x79x128xi32, #tpu.memory_space<hbm>>
      %dma_wait3A_91 = tpu.memref_squeeze %dma_wait3A_90 : memref<1x79x128xi32, #tpu.memory_space<hbm>> -> memref<79x128xi32, #tpu.memory_space<hbm>>
      %dma_wait3A_92 = arith.constant 0 : i32
      %dma_wait3A_93 = arith.constant 0 : i32
      %dma_wait3A_94 = tpu.memref_slice %arg2[%add3A, %dma_wait3A_92, %dma_wait3A_93] : memref<32x79x128xi32, #tpu.memory_space<hbm>> -> memref<1x79x128xi32, #tpu.memory_space<hbm>>
      %dma_wait3A_95 = tpu.memref_squeeze %dma_wait3A_94 : memref<1x79x128xi32, #tpu.memory_space<hbm>> -> memref<79x128xi32, #tpu.memory_space<hbm>>
      tpu.wait_dma2 semaphore(%run_scoped3A : memref<!tpu.dma_semaphore, #tpu.memory_space<semaphore_mem>>) src(%dma_wait3A_95 : memref<79x128xi32, #tpu.memory_space<hbm>>) dst(%arg5 : memref<79x128xi32, #tpu.memory_space<vmem>>)
      tpu.yield
    }) : () -> ()
    %barrier3A = arith.constant 0 : index
    tpu.barrier barrier_id(%barrier3A)
    %scan3A_28 = arith.constant 0 : i32
    %scan3A_29 = arith.constant 0 : i32
    %scan3A_30 = arith.constant 19 : i32
    %scan3A_31 = arith.addi %scan3A_29, %scan3A_30 : i32
    %scan3A_32 = arith.constant 1 : i32
    %scan3A_33 = scf.for %scan3A_80 = %scan3A_29 to %scan3A_31 step %scan3A_32 iter_args(%scan3A_81 = %scan3A_28) -> (i32)  : i32 {
      %mul3A_82 = arith.constant 4 : i32
      %mul3A_83 = arith.muli %scan3A_80, %mul3A_82 : i32
      %add3A_84 = arith.constant 0 : i32
      %add3A_85 = arith.addi %mul3A_83, %add3A_84 : i32
      %dma_start3A_86 = arith.constant 0 : i32
      %dma_start3A_87 = tpu.memref_slice %arg5[%add3A_85, %dma_start3A_86] : memref<79x128xi32, #tpu.memory_space<vmem>> -> memref<1x128xi32, #tpu.memory_space<vmem>>
      %dma_start3A_88 = tpu.memref_squeeze %dma_start3A_87 : memref<1x128xi32, #tpu.memory_space<vmem>> -> memref<128xi32, #tpu.memory_space<vmem>>
      %dma_start3A_89 = arith.constant 0 : i32
      %dma_start3A_90 = arith.constant 0 : i32
      %dma_start3A_91 = tpu.memref_slice %arg8[%dma_start3A_89, %dma_start3A_90] : memref<10240x128xf32, #tpu.memory_space<vmem_shared>> -> memref<10240x128xf32, #tpu.memory_space<vmem_shared>>
      tpu.enqueue_indirect_dma source(%arg6 : memref<128x128xf32, #tpu.memory_space<vmem>>) target(%dma_start3A_91 : memref<10240x128xf32, #tpu.memory_space<vmem_shared>>) offsets(%dma_start3A_88 : memref<128xi32, #tpu.memory_space<vmem>>) semaphore(%arg7 : memref<!tpu.dma_semaphore, #tpu.memory_space<semaphore_mem>>) {add = true}
      %add3A_92 = arith.constant 1 : i32
      %add3A_93 = arith.addi %mul3A_83, %add3A_92 : i32
      %dma_start3A_94 = arith.constant 0 : i32
      %dma_start3A_95 = tpu.memref_slice %arg5[%add3A_93, %dma_start3A_94] : memref<79x128xi32, #tpu.memory_space<vmem>> -> memref<1x128xi32, #tpu.memory_space<vmem>>
      %dma_start3A_96 = tpu.memref_squeeze %dma_start3A_95 : memref<1x128xi32, #tpu.memory_space<vmem>> -> memref<128xi32, #tpu.memory_space<vmem>>
      %dma_start3A_97 = arith.constant 0 : i32
      %dma_start3A_98 = arith.constant 0 : i32
      %dma_start3A_99 = tpu.memref_slice %arg8[%dma_start3A_97, %dma_start3A_98] : memref<10240x128xf32, #tpu.memory_space<vmem_shared>> -> memref<10240x128xf32, #tpu.memory_space<vmem_shared>>
      tpu.enqueue_indirect_dma source(%arg6 : memref<128x128xf32, #tpu.memory_space<vmem>>) target(%dma_start3A_99 : memref<10240x128xf32, #tpu.memory_space<vmem_shared>>) offsets(%dma_start3A_96 : memref<128xi32, #tpu.memory_space<vmem>>) semaphore(%arg7 : memref<!tpu.dma_semaphore, #tpu.memory_space<semaphore_mem>>) {add = true}
      %add3A_100 = arith.constant 2 : i32
      %add3A_101 = arith.addi %mul3A_83, %add3A_100 : i32
      %dma_start3A_102 = arith.constant 0 : i32
      %dma_start3A_103 = tpu.memref_slice %arg5[%add3A_101, %dma_start3A_102] : memref<79x128xi32, #tpu.memory_space<vmem>> -> memref<1x128xi32, #tpu.memory_space<vmem>>
      %dma_start3A_104 = tpu.memref_squeeze %dma_start3A_103 : memref<1x128xi32, #tpu.memory_space<vmem>> -> memref<128xi32, #tpu.memory_space<vmem>>
      %dma_start3A_105 = arith.constant 0 : i32
      %dma_start3A_106 = arith.constant 0 : i32
      %dma_start3A_107 = tpu.memref_slice %arg8[%dma_start3A_105, %dma_start3A_106] : memref<10240x128xf32, #tpu.memory_space<vmem_shared>> -> memref<10240x128xf32, #tpu.memory_space<vmem_shared>>
      tpu.enqueue_indirect_dma source(%arg6 : memref<128x128xf32, #tpu.memory_space<vmem>>) target(%dma_start3A_107 : memref<10240x128xf32, #tpu.memory_space<vmem_shared>>) offsets(%dma_start3A_104 : memref<128xi32, #tpu.memory_space<vmem>>) semaphore(%arg7 : memref<!tpu.dma_semaphore, #tpu.memory_space<semaphore_mem>>) {add = true}
      %add3A_108 = arith.constant 3 : i32
      %add3A_109 = arith.addi %mul3A_83, %add3A_108 : i32
      %dma_start3A_110 = arith.constant 0 : i32
      %dma_start3A_111 = tpu.memref_slice %arg5[%add3A_109, %dma_start3A_110] : memref<79x128xi32, #tpu.memory_space<vmem>> -> memref<1x128xi32, #tpu.memory_space<vmem>>
      %dma_start3A_112 = tpu.memref_squeeze %dma_start3A_111 : memref<1x128xi32, #tpu.memory_space<vmem>> -> memref<128xi32, #tpu.memory_space<vmem>>
      %dma_start3A_113 = arith.constant 0 : i32
      %dma_start3A_114 = arith.constant 0 : i32
      %dma_start3A_115 = tpu.memref_slice %arg8[%dma_start3A_113, %dma_start3A_114] : memref<10240x128xf32, #tpu.memory_space<vmem_shared>> -> memref<10240x128xf32, #tpu.memory_space<vmem_shared>>
      tpu.enqueue_indirect_dma source(%arg6 : memref<128x128xf32, #tpu.memory_space<vmem>>) target(%dma_start3A_115 : memref<10240x128xf32, #tpu.memory_space<vmem_shared>>) offsets(%dma_start3A_112 : memref<128xi32, #tpu.memory_space<vmem>>) semaphore(%arg7 : memref<!tpu.dma_semaphore, #tpu.memory_space<semaphore_mem>>) {add = true}
      %add3A_116 = arith.constant 0 : i32
      %add3A_117 = arith.addi %mul3A_83, %add3A_116 : i32
      %dma_wait3A_118 = arith.constant 0 : i32
      %dma_wait3A_119 = tpu.memref_slice %arg5[%add3A_117, %dma_wait3A_118] : memref<79x128xi32, #tpu.memory_space<vmem>> -> memref<1x128xi32, #tpu.memory_space<vmem>>
      %dma_wait3A_120 = tpu.memref_squeeze %dma_wait3A_119 : memref<1x128xi32, #tpu.memory_space<vmem>> -> memref<128xi32, #tpu.memory_space<vmem>>
      %dma_wait3A_121 = arith.constant 0 : i32
      %dma_wait3A_122 = arith.constant 0 : i32
      %dma_wait3A_123 = tpu.memref_slice %arg8[%dma_wait3A_121, %dma_wait3A_122] : memref<10240x128xf32, #tpu.memory_space<vmem_shared>> -> memref<10240x128xf32, #tpu.memory_space<vmem_shared>>
      tpu.wait_indirect_dma semaphore(%arg7 : memref<!tpu.dma_semaphore, #tpu.memory_space<semaphore_mem>>) src(%arg6 : memref<128x128xf32, #tpu.memory_space<vmem>>) dst(%dma_wait3A_123 : memref<10240x128xf32, #tpu.memory_space<vmem_shared>>)
      %add3A_124 = arith.constant 1 : i32
      %add3A_125 = arith.addi %mul3A_83, %add3A_124 : i32
      %dma_wait3A_126 = arith.constant 0 : i32
      %dma_wait3A_127 = tpu.memref_slice %arg5[%add3A_125, %dma_wait3A_126] : memref<79x128xi32, #tpu.memory_space<vmem>> -> memref<1x128xi32, #tpu.memory_space<vmem>>
      %dma_wait3A_128 = tpu.memref_squeeze %dma_wait3A_127 : memref<1x128xi32, #tpu.memory_space<vmem>> -> memref<128xi32, #tpu.memory_space<vmem>>
      %dma_wait3A_129 = arith.constant 0 : i32
      %dma_wait3A_130 = arith.constant 0 : i32
      %dma_wait3A_131 = tpu.memref_slice %arg8[%dma_wait3A_129, %dma_wait3A_130] : memref<10240x128xf32, #tpu.memory_space<vmem_shared>> -> memref<10240x128xf32, #tpu.memory_space<vmem_shared>>
      tpu.wait_indirect_dma semaphore(%arg7 : memref<!tpu.dma_semaphore, #tpu.memory_space<semaphore_mem>>) src(%arg6 : memref<128x128xf32, #tpu.memory_space<vmem>>) dst(%dma_wait3A_131 : memref<10240x128xf32, #tpu.memory_space<vmem_shared>>)
      %add3A_132 = arith.constant 2 : i32
      %add3A_133 = arith.addi %mul3A_83, %add3A_132 : i32
      %dma_wait3A_134 = arith.constant 0 : i32
      %dma_wait3A_135 = tpu.memref_slice %arg5[%add3A_133, %dma_wait3A_134] : memref<79x128xi32, #tpu.memory_space<vmem>> -> memref<1x128xi32, #tpu.memory_space<vmem>>
      %dma_wait3A_136 = tpu.memref_squeeze %dma_wait3A_135 : memref<1x128xi32, #tpu.memory_space<vmem>> -> memref<128xi32, #tpu.memory_space<vmem>>
      %dma_wait3A_137 = arith.constant 0 : i32
      %dma_wait3A_138 = arith.constant 0 : i32
      %dma_wait3A_139 = tpu.memref_slice %arg8[%dma_wait3A_137, %dma_wait3A_138] : memref<10240x128xf32, #tpu.memory_space<vmem_shared>> -> memref<10240x128xf32, #tpu.memory_space<vmem_shared>>
      tpu.wait_indirect_dma semaphore(%arg7 : memref<!tpu.dma_semaphore, #tpu.memory_space<semaphore_mem>>) src(%arg6 : memref<128x128xf32, #tpu.memory_space<vmem>>) dst(%dma_wait3A_139 : memref<10240x128xf32, #tpu.memory_space<vmem_shared>>)
      %add3A_140 = arith.constant 3 : i32
      %add3A_141 = arith.addi %mul3A_83, %add3A_140 : i32
      %dma_wait3A_142 = arith.constant 0 : i32
      %dma_wait3A_143 = tpu.memref_slice %arg5[%add3A_141, %dma_wait3A_142] : memref<79x128xi32, #tpu.memory_space<vmem>> -> memref<1x128xi32, #tpu.memory_space<vmem>>
      %dma_wait3A_144 = tpu.memref_squeeze %dma_wait3A_143 : memref<1x128xi32, #tpu.memory_space<vmem>> -> memref<128xi32, #tpu.memory_space<vmem>>
      %dma_wait3A_145 = arith.constant 0 : i32
      %dma_wait3A_146 = arith.constant 0 : i32
      %dma_wait3A_147 = tpu.memref_slice %arg8[%dma_wait3A_145, %dma_wait3A_146] : memref<10240x128xf32, #tpu.memory_space<vmem_shared>> -> memref<10240x128xf32, #tpu.memory_space<vmem_shared>>
      tpu.wait_indirect_dma semaphore(%arg7 : memref<!tpu.dma_semaphore, #tpu.memory_space<semaphore_mem>>) src(%arg6 : memref<128x128xf32, #tpu.memory_space<vmem>>) dst(%dma_wait3A_147 : memref<10240x128xf32, #tpu.memory_space<vmem_shared>>)
      %scan3A_148 = arith.constant 0 : i32
      scf.yield %scan3A_148 : i32
    }
    %scan3A_34 = arith.constant 19 : i32
    %dma_start3A = arith.constant 76 : i32
    %dma_start3A_35 = arith.constant 0 : i32
    %dma_start3A_36 = tpu.memref_slice %arg5[%dma_start3A, %dma_start3A_35] : memref<79x128xi32, #tpu.memory_space<vmem>> -> memref<1x128xi32, #tpu.memory_space<vmem>>
    %dma_start3A_37 = tpu.memref_squeeze %dma_start3A_36 : memref<1x128xi32, #tpu.memory_space<vmem>> -> memref<128xi32, #tpu.memory_space<vmem>>
    %dma_start3A_38 = arith.constant 0 : i32
    %dma_start3A_39 = arith.constant 0 : i32
    %dma_start3A_40 = tpu.memref_slice %arg8[%dma_start3A_38, %dma_start3A_39] : memref<10240x128xf32, #tpu.memory_space<vmem_shared>> -> memref<10240x128xf32, #tpu.memory_space<vmem_shared>>
    tpu.enqueue_indirect_dma source(%arg6 : memref<128x128xf32, #tpu.memory_space<vmem>>) target(%dma_start3A_40 : memref<10240x128xf32, #tpu.memory_space<vmem_shared>>) offsets(%dma_start3A_37 : memref<128xi32, #tpu.memory_space<vmem>>) semaphore(%arg7 : memref<!tpu.dma_semaphore, #tpu.memory_space<semaphore_mem>>) {add = true}
    %dma_wait3A = arith.constant 76 : i32
    %dma_wait3A_41 = arith.constant 0 : i32
    %dma_wait3A_42 = tpu.memref_slice %arg5[%dma_wait3A, %dma_wait3A_41] : memref<79x128xi32, #tpu.memory_space<vmem>> -> memref<1x128xi32, #tpu.memory_space<vmem>>
    %dma_wait3A_43 = tpu.memref_squeeze %dma_wait3A_42 : memref<1x128xi32, #tpu.memory_space<vmem>> -> memref<128xi32, #tpu.memory_space<vmem>>
    %dma_wait3A_44 = arith.constant 0 : i32
    %dma_wait3A_45 = arith.constant 0 : i32
    %dma_wait3A_46 = tpu.memref_slice %arg8[%dma_wait3A_44, %dma_wait3A_45] : memref<10240x128xf32, #tpu.memory_space<vmem_shared>> -> memref<10240x128xf32, #tpu.memory_space<vmem_shared>>
    tpu.wait_indirect_dma semaphore(%arg7 : memref<!tpu.dma_semaphore, #tpu.memory_space<semaphore_mem>>) src(%arg6 : memref<128x128xf32, #tpu.memory_space<vmem>>) dst(%dma_wait3A_46 : memref<10240x128xf32, #tpu.memory_space<vmem_shared>>)
    %dma_start3A_47 = arith.constant 77 : i32
    %dma_start3A_48 = arith.constant 0 : i32
    %dma_start3A_49 = tpu.memref_slice %arg5[%dma_start3A_47, %dma_start3A_48] : memref<79x128xi32, #tpu.memory_space<vmem>> -> memref<1x128xi32, #tpu.memory_space<vmem>>
    %dma_start3A_50 = tpu.memref_squeeze %dma_start3A_49 : memref<1x128xi32, #tpu.memory_space<vmem>> -> memref<128xi32, #tpu.memory_space<vmem>>
    %dma_start3A_51 = arith.constant 0 : i32
    %dma_start3A_52 = arith.constant 0 : i32
    %dma_start3A_53 = tpu.memref_slice %arg8[%dma_start3A_51, %dma_start3A_52] : memref<10240x128xf32, #tpu.memory_space<vmem_shared>> -> memref<10240x128xf32, #tpu.memory_space<vmem_shared>>
    tpu.enqueue_indirect_dma source(%arg6 : memref<128x128xf32, #tpu.memory_space<vmem>>) target(%dma_start3A_53 : memref<10240x128xf32, #tpu.memory_space<vmem_shared>>) offsets(%dma_start3A_50 : memref<128xi32, #tpu.memory_space<vmem>>) semaphore(%arg7 : memref<!tpu.dma_semaphore, #tpu.memory_space<semaphore_mem>>) {add = true}
    %dma_wait3A_54 = arith.constant 77 : i32
    %dma_wait3A_55 = arith.constant 0 : i32
    %dma_wait3A_56 = tpu.memref_slice %arg5[%dma_wait3A_54, %dma_wait3A_55] : memref<79x128xi32, #tpu.memory_space<vmem>> -> memref<1x128xi32, #tpu.memory_space<vmem>>
    %dma_wait3A_57 = tpu.memref_squeeze %dma_wait3A_56 : memref<1x128xi32, #tpu.memory_space<vmem>> -> memref<128xi32, #tpu.memory_space<vmem>>
    %dma_wait3A_58 = arith.constant 0 : i32
    %dma_wait3A_59 = arith.constant 0 : i32
    %dma_wait3A_60 = tpu.memref_slice %arg8[%dma_wait3A_58, %dma_wait3A_59] : memref<10240x128xf32, #tpu.memory_space<vmem_shared>> -> memref<10240x128xf32, #tpu.memory_space<vmem_shared>>
    tpu.wait_indirect_dma semaphore(%arg7 : memref<!tpu.dma_semaphore, #tpu.memory_space<semaphore_mem>>) src(%arg6 : memref<128x128xf32, #tpu.memory_space<vmem>>) dst(%dma_wait3A_60 : memref<10240x128xf32, #tpu.memory_space<vmem_shared>>)
    %dma_start3A_61 = arith.constant 78 : i32
    %dma_start3A_62 = arith.constant 0 : i32
    %dma_start3A_63 = tpu.memref_slice %arg5[%dma_start3A_61, %dma_start3A_62] : memref<79x128xi32, #tpu.memory_space<vmem>> -> memref<1x128xi32, #tpu.memory_space<vmem>>
    %dma_start3A_64 = tpu.memref_squeeze %dma_start3A_63 : memref<1x128xi32, #tpu.memory_space<vmem>> -> memref<128xi32, #tpu.memory_space<vmem>>
    %dma_start3A_65 = arith.constant 0 : i32
    %dma_start3A_66 = arith.constant 0 : i32
    %dma_start3A_67 = tpu.memref_slice %arg8[%dma_start3A_65, %dma_start3A_66] : memref<10240x128xf32, #tpu.memory_space<vmem_shared>> -> memref<10240x128xf32, #tpu.memory_space<vmem_shared>>
    tpu.enqueue_indirect_dma source(%arg6 : memref<128x128xf32, #tpu.memory_space<vmem>>) target(%dma_start3A_67 : memref<10240x128xf32, #tpu.memory_space<vmem_shared>>) offsets(%dma_start3A_64 : memref<128xi32, #tpu.memory_space<vmem>>) semaphore(%arg7 : memref<!tpu.dma_semaphore, #tpu.memory_space<semaphore_mem>>) {add = true}
    %dma_wait3A_68 = arith.constant 78 : i32
    %dma_wait3A_69 = arith.constant 0 : i32
    %dma_wait3A_70 = tpu.memref_slice %arg5[%dma_wait3A_68, %dma_wait3A_69] : memref<79x128xi32, #tpu.memory_space<vmem>> -> memref<1x128xi32, #tpu.memory_space<vmem>>
    %dma_wait3A_71 = tpu.memref_squeeze %dma_wait3A_70 : memref<1x128xi32, #tpu.memory_space<vmem>> -> memref<128xi32, #tpu.memory_space<vmem>>
    %dma_wait3A_72 = arith.constant 0 : i32
    %dma_wait3A_73 = arith.constant 0 : i32
    %dma_wait3A_74 = tpu.memref_slice %arg8[%dma_wait3A_72, %dma_wait3A_73] : memref<10240x128xf32, #tpu.memory_space<vmem_shared>> -> memref<10240x128xf32, #tpu.memory_space<vmem_shared>>
    tpu.wait_indirect_dma semaphore(%arg7 : memref<!tpu.dma_semaphore, #tpu.memory_space<semaphore_mem>>) src(%arg6 : memref<128x128xf32, #tpu.memory_space<vmem>>) dst(%dma_wait3A_74 : memref<10240x128xf32, #tpu.memory_space<vmem_shared>>)
    %barrier3A_75 = arith.constant 0 : index
    tpu.barrier barrier_id(%barrier3A_75)
    %mul3A_76 = arith.constant 640 : i32
    %mul3A_77 = arith.muli %arg1, %mul3A_76 : i32
    %mul3A_78 = arith.constant 640 : i32
    %mul3A_79 = arith.muli %arg1, %mul3A_78 : i32
    "tpu.region"() ({
      %run_scoped3A = tpu.sem_alloc : memref<!tpu.dma_semaphore, #tpu.memory_space<semaphore_mem>>
      %dma_start3A_80 = arith.constant 0 : i32
      %dma_start3A_81 = tpu.memref_slice %arg4[%arg0, %mul3A_79, %dma_start3A_80] : memref<2x10240x128xf32, #tpu.memory_space<hbm>> -> memref<1x640x128xf32, #tpu.memory_space<hbm>>
      %dma_start3A_82 = tpu.memref_squeeze %dma_start3A_81 : memref<1x640x128xf32, #tpu.memory_space<hbm>> -> memref<640x128xf32, #tpu.memory_space<hbm>>
      %dma_start3A_83 = arith.constant 0 : i32
      %dma_start3A_84 = tpu.memref_slice %arg8[%mul3A_77, %dma_start3A_83] : memref<10240x128xf32, #tpu.memory_space<vmem_shared>> -> memref<640x128xf32, #tpu.memory_space<vmem_shared>>
      tpu.enqueue_dma source(%dma_start3A_84 : memref<640x128xf32, #tpu.memory_space<vmem_shared>>) target(%dma_start3A_82 : memref<640x128xf32, #tpu.memory_space<hbm>>) target_semaphore(%run_scoped3A : memref<!tpu.dma_semaphore, #tpu.memory_space<semaphore_mem>>)
      %dma_wait3A_85 = arith.constant 0 : i32
      %dma_wait3A_86 = tpu.memref_slice %arg4[%arg0, %mul3A_79, %dma_wait3A_85] : memref<2x10240x128xf32, #tpu.memory_space<hbm>> -> memref<1x640x128xf32, #tpu.memory_space<hbm>>
      %dma_wait3A_87 = tpu.memref_squeeze %dma_wait3A_86 : memref<1x640x128xf32, #tpu.memory_space<hbm>> -> memref<640x128xf32, #tpu.memory_space<hbm>>
      %dma_wait3A_88 = arith.constant 0 : i32
      %dma_wait3A_89 = tpu.memref_slice %arg8[%mul3A_77, %dma_wait3A_88] : memref<10240x128xf32, #tpu.memory_space<vmem_shared>> -> memref<640x128xf32, #tpu.memory_space<vmem_shared>>
      tpu.wait_dma2 semaphore(%run_scoped3A : memref<!tpu.dma_semaphore, #tpu.memory_space<semaphore_mem>>) src(%dma_wait3A_89 : memref<640x128xf32, #tpu.memory_space<vmem_shared>>) dst(%dma_wait3A_87 : memref<640x128xf32, #tpu.memory_space<hbm>>)
      tpu.yield
    }) : () -> ()
    return
  }
}

module attributes {stable_mosaic.version = 14 : i64} {
  func.func @_k2_body(%arg0: i32, %arg1: memref<400x128xf32, #tpu.memory_space<vmem>>, %arg2: memref<128x128xf32, #tpu.memory_space<vmem>>, %arg3: memref<512x128xf32, #tpu.memory_space<vmem>>, %arg4: memref<512x128xf32, #tpu.memory_space<vmem>>, %arg5: memref<1x512xf32, #tpu.memory_space<vmem>>, %arg6: memref<1x512xf32, #tpu.memory_space<vmem>>, %arg7: memref<2x400x1xf32, #tpu.memory_space<vmem>>, %arg8: memref<400x128xf32, #tpu.memory_space<vmem>>, %arg9: memref<128x128xf32, #tpu.memory_space<vmem>>) attributes {dimension_semantics = [#tpu.dimension_semantics<arbitrary>], iteration_bounds = array<i64: 25>, scalar_prefetch = 0 : i64, scratch_operands = 1 : i64, tpu.core_type = #tpu.core_type<tc>, window_params = [{transform_indices = @transform_0, window_bounds = array<i64: 400, 128>}, {pipeline_mode = #tpu.pipeline_mode<synchronous>, transform_indices = @transform_1, window_bounds = array<i64: 128, 128>}, {pipeline_mode = #tpu.pipeline_mode<synchronous>, transform_indices = @transform_2, window_bounds = array<i64: 512, 128>}, {pipeline_mode = #tpu.pipeline_mode<synchronous>, transform_indices = @transform_3, window_bounds = array<i64: 512, 128>}, {pipeline_mode = #tpu.pipeline_mode<synchronous>, transform_indices = @transform_4, window_bounds = array<i64: 1, 512>}, {pipeline_mode = #tpu.pipeline_mode<synchronous>, transform_indices = @transform_5, window_bounds = array<i64: 1, 512>}, {transform_indices = @transform_6, window_bounds = array<i64: 2, 400, 1>}, {transform_indices = @transform_7, window_bounds = array<i64: 400, 128>}]} {
    %eq3A = arith.constant 0 : i32
    %eq3A_0 = arith.cmpi eq, %arg0, %eq3A : i32
    %convert_element_type3A = arith.extui %eq3A_0 : i1 to i32
    %cond3A = arith.constant 0 : i32
    %cond3A_1 = arith.cmpi ne, %convert_element_type3A, %cond3A : i32
    scf.if %cond3A_1 {
      %get3A_24 = arith.constant 0 : index
      %get3A_25 = arith.constant 0 : index
      %get3A_26 = vector.load %arg2[%get3A_24, %get3A_25] : memref<128x128xf32, #tpu.memory_space<vmem>>, vector<128x128xf32>
      %get3A_27 = arith.constant 0 : index
      %get3A_28 = arith.constant 0 : index
      %get3A_29 = vector.load %arg3[%get3A_27, %get3A_28] : memref<512x128xf32, #tpu.memory_space<vmem>>, vector<512x128xf32>
      %get3A_30 = arith.constant 0 : index
      %get3A_31 = arith.constant 0 : index
      %get3A_32 = vector.load %arg4[%get3A_30, %get3A_31] : memref<512x128xf32, #tpu.memory_space<vmem>>, vector<512x128xf32>
      %add3A_33 = arith.addf %get3A_29, %get3A_32 : vector<512x128xf32>
      %get3A_34 = arith.constant 0 : index
      %get3A_35 = arith.constant 0 : index
      %get3A_36 = vector.load %arg5[%get3A_34, %get3A_35] : memref<1x512xf32, #tpu.memory_space<vmem>>, vector<1x512xf32>
      %get3A_37 = arith.constant 0 : index
      %get3A_38 = arith.constant 0 : index
      %get3A_39 = vector.load %arg6[%get3A_37, %get3A_38] : memref<1x512xf32, #tpu.memory_space<vmem>>, vector<1x512xf32>
      %add3A_40 = arith.addf %get3A_36, %get3A_39 : vector<1x512xf32>
      %dot_general3A_41 = arith.constant dense<0.000000e+00> : vector<128x512xf32>
      %dot_general3A_42 = tpu.matmul %get3A_26, %add3A_33, %dot_general3A_41 {dimension_numbers = #tpu.dot_dimension_numbers<[1], [1], [0], [0], [0, 0, 1, 0], [], []>, transpose_lhs_hint = false} : vector<128x128xf32>, vector<512x128xf32>, vector<128x512xf32> -> vector<128x512xf32>
      %add3A_43 = vector.broadcast %add3A_40 : vector<1x512xf32> to vector<128x512xf32>
      %add3A_44 = arith.addf %dot_general3A_42, %add3A_43 : vector<128x512xf32>
      %slice3A = vector.extract_strided_slice %add3A_44 {offsets = [0, 0], sizes = [128, 128], strides = [1, 1]} : vector<128x512xf32> to vector<128x128xf32>
      %logistic3A = arith.negf %slice3A : vector<128x128xf32>
      %logistic3A_45 = math.exp %logistic3A : vector<128x128xf32>
      %logistic3A_46 = arith.constant 1.000000e+00 : f32
      %logistic3A_47 = vector.broadcast %logistic3A_46 : f32 to vector<128x128xf32>
      %logistic3A_48 = arith.addf %logistic3A_47, %logistic3A_45 : vector<128x128xf32>
      %logistic3A_49 = arith.divf %logistic3A_47, %logistic3A_48 : vector<128x128xf32>
      %slice3A_50 = vector.extract_strided_slice %add3A_44 {offsets = [0, 128], sizes = [128, 128], strides = [1, 1]} : vector<128x512xf32> to vector<128x128xf32>
      %logistic3A_51 = arith.negf %slice3A_50 : vector<128x128xf32>
      %logistic3A_52 = math.exp %logistic3A_51 : vector<128x128xf32>
      %logistic3A_53 = arith.constant 1.000000e+00 : f32
      %logistic3A_54 = vector.broadcast %logistic3A_53 : f32 to vector<128x128xf32>
      %logistic3A_55 = arith.addf %logistic3A_54, %logistic3A_52 : vector<128x128xf32>
      %logistic3A_56 = arith.divf %logistic3A_54, %logistic3A_55 : vector<128x128xf32>
      %slice3A_57 = vector.extract_strided_slice %add3A_44 {offsets = [0, 256], sizes = [128, 128], strides = [1, 1]} : vector<128x512xf32> to vector<128x128xf32>
      %tanh3A = math.tanh %slice3A_57 : vector<128x128xf32>
      %slice3A_58 = vector.extract_strided_slice %add3A_44 {offsets = [0, 384], sizes = [128, 128], strides = [1, 1]} : vector<128x512xf32> to vector<128x128xf32>
      %logistic3A_59 = arith.negf %slice3A_58 : vector<128x128xf32>
      %logistic3A_60 = math.exp %logistic3A_59 : vector<128x128xf32>
      %logistic3A_61 = arith.constant 1.000000e+00 : f32
      %logistic3A_62 = vector.broadcast %logistic3A_61 : f32 to vector<128x128xf32>
      %logistic3A_63 = arith.addf %logistic3A_62, %logistic3A_60 : vector<128x128xf32>
      %logistic3A_64 = arith.divf %logistic3A_62, %logistic3A_63 : vector<128x128xf32>
      %mul3A_65 = arith.mulf %logistic3A_56, %get3A_26 : vector<128x128xf32>
      %mul3A_66 = arith.mulf %logistic3A_49, %tanh3A : vector<128x128xf32>
      %add3A_67 = arith.addf %mul3A_65, %mul3A_66 : vector<128x128xf32>
      %tanh3A_68 = math.tanh %add3A_67 : vector<128x128xf32>
      %mul3A_69 = arith.mulf %logistic3A_64, %tanh3A_68 : vector<128x128xf32>
      %swap3A_70 = arith.constant 0 : index
      %swap3A_71 = arith.constant 0 : index
      %swap3A_72 = vector.load %arg9[%swap3A_70, %swap3A_71] : memref<128x128xf32, #tpu.memory_space<vmem>>, vector<128x128xf32>
      tpu.vector_store %arg9[%swap3A_70, %swap3A_71], %mul3A_69 {strides = array<i32>} : memref<128x128xf32, #tpu.memory_space<vmem>>, vector<128x128xf32>,
    } else {
    }
    %get3A = arith.constant 0 : index
    %get3A_2 = arith.constant 0 : index
    %get3A_3 = vector.load %arg1[%get3A, %get3A_2] : memref<400x128xf32, #tpu.memory_space<vmem>>, vector<400x128xf32>
    %get3A_4 = arith.constant 0 : index
    %get3A_5 = arith.constant 0 : index
    %get3A_6 = vector.load %arg9[%get3A_4, %get3A_5] : memref<128x128xf32, #tpu.memory_space<vmem>>, vector<128x128xf32>
    %dot_general3A = arith.constant dense<0.000000e+00> : vector<400x128xf32>
    %dot_general3A_7 = tpu.matmul %get3A_3, %get3A_6, %dot_general3A {dimension_numbers = #tpu.dot_dimension_numbers<[1], [0], [0], [1], [0, 0, 1, 1], [], []>, transpose_lhs_hint = false} : vector<400x128xf32>, vector<128x128xf32>, vector<400x128xf32> -> vector<400x128xf32>
    %get3A_8 = arith.constant 0 : index
    %get3A_9 = arith.constant 0 : index
    %get3A_10 = arith.constant 0 : index
    %get3A_11 = vector.load %arg7[%get3A_8, %get3A_9, %get3A_10] : memref<2x400x1xf32, #tpu.memory_space<vmem>>, vector<1x400x1xf32>
    %get3A_12 = vector.shape_cast %get3A_11 : vector<1x400x1xf32> to vector<400x1xf32>
    %get3A_13 = arith.constant 1 : index
    %get3A_14 = arith.constant 0 : index
    %get3A_15 = arith.constant 0 : index
    %get3A_16 = vector.load %arg7[%get3A_13, %get3A_14, %get3A_15] : memref<2x400x1xf32, #tpu.memory_space<vmem>>, vector<1x400x1xf32>
    %get3A_17 = vector.shape_cast %get3A_16 : vector<1x400x1xf32> to vector<400x1xf32>
    %add3A = arith.addf %get3A_12, %get3A_17 : vector<400x1xf32>
    %add3A_18 = arith.constant 1.000000e+00 : f32
    %add3A_19 = vector.broadcast %add3A_18 : f32 to vector<400x1xf32>
    %add3A_20 = arith.addf %add3A, %add3A_19 : vector<400x1xf32>
    %rsqrt3A = math.rsqrt %add3A_20 : vector<400x1xf32>
    %mul3A = vector.broadcast %rsqrt3A : vector<400x1xf32> to vector<400x128xf32>
    %mul3A_21 = arith.mulf %dot_general3A_7, %mul3A : vector<400x128xf32>
    %swap3A = arith.constant 0 : index
    %swap3A_22 = arith.constant 0 : index
    %swap3A_23 = vector.load %arg8[%swap3A, %swap3A_22] : memref<400x128xf32, #tpu.memory_space<vmem>>, vector<400x128xf32>
    tpu.vector_store %arg8[%swap3A, %swap3A_22], %mul3A_21 {strides = array<i32>} : memref<400x128xf32, #tpu.memory_space<vmem>>, vector<400x128xf32>,
    return
  }
  func.func @transform_0(%arg0: i32) -> (i32, i32) {
    %c0_i32 = arith.constant 0 : i32
    %c0_i32_0 = arith.constant 0 : i32
    return %arg0, %c0_i32 : i32, i32
  }
  func.func @transform_1(%arg0: i32) -> (i32, i32) {
    %c0_i32 = arith.constant 0 : i32
    %c0_i32_0 = arith.constant 0 : i32
    %c0_i32_1 = arith.constant 0 : i32
    return %c0_i32, %c0_i32_0 : i32, i32
  }
  func.func @transform_2(%arg0: i32) -> (i32, i32) {
    %c0_i32 = arith.constant 0 : i32
    %c0_i32_0 = arith.constant 0 : i32
    %c0_i32_1 = arith.constant 0 : i32
    return %c0_i32, %c0_i32_0 : i32, i32
  }
  func.func @transform_3(%arg0: i32) -> (i32, i32) {
    %c0_i32 = arith.constant 0 : i32
    %c0_i32_0 = arith.constant 0 : i32
    %c0_i32_1 = arith.constant 0 : i32
    return %c0_i32, %c0_i32_0 : i32, i32
  }
  func.func @transform_4(%arg0: i32) -> (i32, i32) {
    %c0_i32 = arith.constant 0 : i32
    %c0_i32_0 = arith.constant 0 : i32
    %c0_i32_1 = arith.constant 0 : i32
    return %c0_i32, %c0_i32_0 : i32, i32
  }
  func.func @transform_5(%arg0: i32) -> (i32, i32) {
    %c0_i32 = arith.constant 0 : i32
    %c0_i32_0 = arith.constant 0 : i32
    %c0_i32_1 = arith.constant 0 : i32
    return %c0_i32, %c0_i32_0 : i32, i32
  }
  func.func @transform_6(%arg0: i32) -> (i32, i32, i32) {
    %c0_i32 = arith.constant 0 : i32
    %c0_i32_0 = arith.constant 0 : i32
    %c0_i32_1 = arith.constant 0 : i32
    return %c0_i32, %arg0, %c0_i32_0 : i32, i32, i32
  }
  func.func @transform_7(%arg0: i32) -> (i32, i32) {
    %c0_i32 = arith.constant 0 : i32
    %c0_i32_0 = arith.constant 0 : i32
    return %arg0, %c0_i32 : i32, i32
  }
}

module attributes {stable_mosaic.version = 14 : i64} {
  func.func @_k4_body(%arg0: i32, %arg1: memref<2x400x128xf32, #tpu.memory_space<vmem>>, %arg2: memref<400x128xf32, #tpu.memory_space<vmem>>, %arg3: memref<2x400x1xf32, #tpu.memory_space<vmem>>, %arg4: memref<400x128xf32, #tpu.memory_space<vmem>>) attributes {dimension_semantics = [#tpu.dimension_semantics<arbitrary>], iteration_bounds = array<i64: 25>, scalar_prefetch = 0 : i64, scratch_operands = 0 : i64, tpu.core_type = #tpu.core_type<tc>, window_params = [{transform_indices = @transform_0, window_bounds = array<i64: 2, 400, 128>}, {transform_indices = @transform_1, window_bounds = array<i64: 400, 128>}, {transform_indices = @transform_2, window_bounds = array<i64: 2, 400, 1>}, {transform_indices = @transform_3, window_bounds = array<i64: 400, 128>}]} {
    %get3A = arith.constant 0 : index
    %get3A_0 = arith.constant 0 : index
    %get3A_1 = arith.constant 0 : index
    %get3A_2 = vector.load %arg1[%get3A, %get3A_0, %get3A_1] : memref<2x400x128xf32, #tpu.memory_space<vmem>>, vector<1x400x128xf32>
    %get3A_3 = vector.shape_cast %get3A_2 : vector<1x400x128xf32> to vector<400x128xf32>
    %get3A_4 = arith.constant 1 : index
    %get3A_5 = arith.constant 0 : index
    %get3A_6 = arith.constant 0 : index
    %get3A_7 = vector.load %arg1[%get3A_4, %get3A_5, %get3A_6] : memref<2x400x128xf32, #tpu.memory_space<vmem>>, vector<1x400x128xf32>
    %get3A_8 = vector.shape_cast %get3A_7 : vector<1x400x128xf32> to vector<400x128xf32>
    %add3A = arith.addf %get3A_3, %get3A_8 : vector<400x128xf32>
    %get3A_9 = arith.constant 0 : index
    %get3A_10 = arith.constant 0 : index
    %get3A_11 = vector.load %arg2[%get3A_9, %get3A_10] : memref<400x128xf32, #tpu.memory_space<vmem>>, vector<400x128xf32>
    %add3A_12 = arith.addf %add3A, %get3A_11 : vector<400x128xf32>
    %get3A_13 = arith.constant 0 : index
    %get3A_14 = arith.constant 0 : index
    %get3A_15 = arith.constant 0 : index
    %get3A_16 = vector.load %arg3[%get3A_13, %get3A_14, %get3A_15] : memref<2x400x1xf32, #tpu.memory_space<vmem>>, vector<1x400x1xf32>
    %get3A_17 = vector.shape_cast %get3A_16 : vector<1x400x1xf32> to vector<400x1xf32>
    %get3A_18 = arith.constant 1 : index
    %get3A_19 = arith.constant 0 : index
    %get3A_20 = arith.constant 0 : index
    %get3A_21 = vector.load %arg3[%get3A_18, %get3A_19, %get3A_20] : memref<2x400x1xf32, #tpu.memory_space<vmem>>, vector<1x400x1xf32>
    %get3A_22 = vector.shape_cast %get3A_21 : vector<1x400x1xf32> to vector<400x1xf32>
    %add3A_23 = arith.addf %get3A_17, %get3A_22 : vector<400x1xf32>
    %add3A_24 = arith.constant 1.000000e+00 : f32
    %add3A_25 = vector.broadcast %add3A_24 : f32 to vector<400x1xf32>
    %add3A_26 = arith.addf %add3A_23, %add3A_25 : vector<400x1xf32>
    %rsqrt3A = math.rsqrt %add3A_26 : vector<400x1xf32>
    %mul3A = vector.broadcast %rsqrt3A : vector<400x1xf32> to vector<400x128xf32>
    %mul3A_27 = arith.mulf %add3A_12, %mul3A : vector<400x128xf32>
    %max3A = arith.constant 0.000000e+00 : f32
    %max3A_28 = vector.broadcast %max3A : f32 to vector<400x128xf32>
    %max3A_29 = arith.maximumf %mul3A_27, %max3A_28 : vector<400x128xf32>
    %swap3A = arith.constant 0 : index
    %swap3A_30 = arith.constant 0 : index
    %swap3A_31 = vector.load %arg4[%swap3A, %swap3A_30] : memref<400x128xf32, #tpu.memory_space<vmem>>, vector<400x128xf32>
    tpu.vector_store %arg4[%swap3A, %swap3A_30], %max3A_29 {strides = array<i32>} : memref<400x128xf32, #tpu.memory_space<vmem>>, vector<400x128xf32>,
    return
  }
  func.func @transform_0(%arg0: i32) -> (i32, i32, i32) {
    %c0_i32 = arith.constant 0 : i32
    %c0_i32_0 = arith.constant 0 : i32
    %c0_i32_1 = arith.constant 0 : i32
    return %c0_i32, %arg0, %c0_i32_0 : i32, i32, i32
  }
  func.func @transform_1(%arg0: i32) -> (i32, i32) {
    %c0_i32 = arith.constant 0 : i32
    %c0_i32_0 = arith.constant 0 : i32
    return %arg0, %c0_i32 : i32, i32
  }
  func.func @transform_2(%arg0: i32) -> (i32, i32, i32) {
    %c0_i32 = arith.constant 0 : i32
    %c0_i32_0 = arith.constant 0 : i32
    %c0_i32_1 = arith.constant 0 : i32
    return %c0_i32, %arg0, %c0_i32_0 : i32, i32, i32
  }
  func.func @transform_3(%arg0: i32) -> (i32, i32) {
    %c0_i32 = arith.constant 0 : i32
    %c0_i32_0 = arith.constant 0 : i32
    return %arg0, %c0_i32 : i32, i32
  }
}

</mosaic_0001>

<sc_bundles>
// kernel: kernel.6.cloned.1.call-start
scs
__scs_entry_jumppad:
0x0: {  	(pc) =	sbr.rel $0x88, $3  }
0x1: {  	(tag) =	ssettag $0x0;
	lr =	simm.s32 $0x1  }
0x2: {  	[smem:$0x3F9A] =	sst lr;
	_ =	strace $0xD0000000  }
0x3: {  	_ = 	snop  }
0x4: {  	_ = 	snop  }
0x5: {  	_ = 	snop  }
0x6: {  	_ = 	snop  }
0x7: {  	_ = 	snop  }
__scs_overlays_trampoline_lowered:
0x8: {  	[smem:$0x3FA9] =	sst s0  }
0x9: {  	[smem:$0x3FAA] =	sst s1  }
0xa: {  	[smem:$0x3FAB] =	sst s2  }
0xb: {  	[smem:$0x3FAC] =	sst s3  }
0xc: {  	[smem:$0x3FAD] =	sst s4  }
0xd: {  	[smem:$0x3FAE] =	sst s5  }
0xe: {  	[smem:$0x3FAF] =	sst s6  }
0xf: {  	[smem:$0x3FB0] =	sst s7  }
0x10: {  	[smem:$0x3FB1] =	sst s8  }
0x11: {  	[smem:$0x3FB2] =	sst s9;
	s0 =	simm.s32 @!p0 $0x0  }
0x12: {  	s1 =	sld [smem:$0x3F98];
	s0 =	simm.s32 @p0 $0x1  }
0x13: {  	[smem:$0x3FB3] =	sst s0;
	s0 =	simm.s32 @!p1 $0x0  }
0x14: {  	s2 =	sld [smem:$0x3F97];
	s0 =	simm.s32 @p1 $0x1  }
0x15: {  	[smem:$0x3FB4] =	sst s0;
	s0 =	simm.s32 @!p2 $0x0  }
0x16: {  	s3 =	sld [smem:$0x3FDB];
	s0 =	simm.s32 @p2 $0x1  }
0x17: {  	s4 =	simm.s32 $0x1BF5;
	[smem:$0x3FB6] =	sst s0  }
0x18: {  	s0 =	sld [smem:$0x3F99];
	_ =	swait.ge [sflag:s4], $0x0  }
0x19: {  	s7 =	sld [smem:$0x3F9A]  }
0x1a: {  	s8 =	sadd.s32 $0xFFFFE003, lr  }
0x1b: {  	s9 =	sadd.s32 $0xFFFFFEF7, lr;
	s5 =	simm.s32 $0xFFFFFFFF;
	p2 =	slt.u32 s8, $0xFFFFF086  }
0x1c: {  	p1 =	slt.u32 s9, $0xF7A;
	s5 =	simm.s32 @!p2 $0x0  }
0x1d: {  	s5 =	simm.s32 @p1 $0x1;
	p0 =	seq.s32 s7, s2  }
0x1e: {  	s7 =	smul.u32 @!p0 $0xF7A, s2;
	p2 =	seq.s32 @!p0 s5, $0x0  }
0x1f: {  	s9 =	smul.u32 $0xF7A, s1;
	s8 =	simm.s32 @!p0 $0x1BF5;
	p2 =	por !p2, p0  }
0x20: {  	[sflag:s8] =	ssyncset.s32 @!p0 $0xFFFFF086;
	s6 =	sadd.s32 @!p0 s3, s7;
	s7 =	simm.s32 @!p0 $0x108  }
0x21: {  	s3 =	sadd.s32 s3, s9;
	s6 =	sadd.s32 @!p0 $0x88, s6;
	s7 =	simm.s32 @p2 $0x1082  }
0x22: {  	[simem:s7], [sflag:s8] =	dma.local @!p0 [hbm:s6], $0xF7A  }
0x23: {  	s9 =	sor.u32 $0xD0000000, s2;
	s6 =	simm.s32 $0x108;
	_ =	swait.ge @!p0 [sflag:s8], $0x0  }
0x24: {  	s3 =	sadd.s32 $0x88, s3;
	s6 =	simm.s32 @!p1 $0x1082;
	[sflag:s4] =	ssyncset.s32 $0xFFFFF086  }
0x25: {  	[simem:s6], [sflag:s4] =	dma.local [hbm:s3], $0xF7A  }
0x26: {  	[smem:$0x3F9A] =	sst s1;
	(tag) =	ssettag s2;
	_ =	strace s9  }
0x27: {  	s1 =	sld [smem:$0x3FAA]  }
0x28: {  	s2 =	sld [smem:$0x3FAB]  }
0x29: {  	s4 =	sld [smem:$0x3FAD]  }
0x2a: {  	p0 =	seq.s32 s5, $0x0;
	s5 =	sld [smem:$0x3FAE]  }
0x2b: {  	s6 =	sld [smem:$0x3FAF]  }
0x2c: {  	s7 =	sld [smem:$0x3FB0]  }
0x2d: {  	s3 =	simm.s32 $0x108;
	s8 =	sld [smem:$0x3FB1]  }
0x2e: {  	s3 =	simm.s32 @!p0 $0x1082;
	s9 =	sld [smem:$0x3FB2]  }
0x2f: {  	lr =	sadd.s32 s0, s3;
	s0 =	sld [smem:$0x3FA9]  }
0x30: {  	s3 =	sld [smem:$0x3FAC]  }
0x31: {  	[smem:$0x3FB5] =	sst s10  }
0x32: {  	s10 =	sld [smem:$0x3FB3];
	_ =	sdelay $0x3  }
0x33: {  	p0 =	seq.s32 s10, $0x1;
	s10 =	sld [smem:$0x3FB5];
	_ =	sdelay $0x3  }
0x34: {  	[smem:$0x3FB5] =	sst s10  }
0x35: {  	s10 =	sld [smem:$0x3FB4];
	_ =	sdelay $0x3  }
0x36: {  	p1 =	seq.s32 s10, $0x1;
	s10 =	sld [smem:$0x3FB5];
	_ =	sdelay $0x3  }
0x37: {  	[smem:$0x3FB5] =	sst s10  }
0x38: {  	s10 =	sld [smem:$0x3FB6]  }
0x39: {  	_ = 	snop;
	(pc) =	sbr.ind lr, $3  }
0x3a: {  	_ = 	snop  }
0x3b: {  	_ = 	snop  }
0x3c: {  	p2 =	seq.s32 s10, $0x1;
	s10 =	sld [smem:$0x3FB5]  }
0x3d: {  	_ =	shalt  }
0x3e: {  	_ =	shalt  }
0x3f: {  	_ =	shalt  }
0x40: {  	_ =	shalt  }
0x41: {  	_ =	shalt  }
0x42: {  	_ =	shalt  }
0x43: {  	_ =	shalt  }
0x44: {  	_ =	shalt  }
0x45: {  	_ =	shalt  }
0x46: {  	_ =	shalt  }
0x47: {  	_ =	shalt  }
0x48: {  	_ =	shalt  }
0x49: {  	_ =	shalt  }
0x4a: {  	_ =	shalt  }
0x4b: {  	_ =	shalt  }
0x4c: {  	_ =	shalt  }
0x4d: {  	_ =	shalt  }
0x4e: {  	_ =	shalt  }
0x4f: {  	_ =	shalt  }
0x50: {  	_ =	shalt  }
0x51: {  	_ =	shalt  }
0x52: {  	_ =	shalt  }
0x53: {  	_ =	shalt  }
0x54: {  	_ =	shalt  }
0x55: {  	_ =	shalt  }
0x56: {  	_ =	shalt  }
0x57: {  	_ =	shalt  }
0x58: {  	_ =	shalt  }
0x59: {  	_ =	shalt  }
0x5a: {  	_ =	shalt  }
0x5b: {  	_ =	shalt  }
0x5c: {  	_ =	shalt  }
0x5d: {  	_ =	shalt  }
0x5e: {  	_ =	shalt  }
0x5f: {  	_ =	shalt  }
0x60: {  	_ =	shalt  }
0x61: {  	_ =	shalt  }
0x62: {  	_ =	shalt  }
0x63: {  	_ =	shalt  }
0x64: {  	_ =	shalt  }
0x65: {  	_ =	shalt  }
0x66: {  	_ =	shalt  }
0x67: {  	_ =	shalt  }
0x68: {  	_ =	shalt  }
0x69: {  	_ =	shalt  }
0x6a: {  	_ =	shalt  }
0x6b: {  	_ =	shalt  }
0x6c: {  	_ =	shalt  }
0x6d: {  	_ =	shalt  }
0x6e: {  	_ =	shalt  }
0x6f: {  	_ =	shalt  }
0x70: {  	_ =	shalt  }
0x71: {  	_ =	shalt  }
0x72: {  	_ =	shalt  }
0x73: {  	_ =	shalt  }
0x74: {  	_ =	shalt  }
0x75: {  	_ =	shalt  }
0x76: {  	_ =	shalt  }
0x77: {  	_ =	shalt  }
0x78: {  	_ =	shalt  }
0x79: {  	_ =	shalt  }
0x7a: {  	_ =	shalt  }
0x7b: {  	_ =	shalt  }
0x7c: {  	_ =	shalt  }
0x7d: {  	_ =	shalt  }
0x7e: {  	_ =	shalt  }
0x7f: {  	_ =	shalt  }
0x80: {  	_ =	shalt  }
0x81: {  	_ =	shalt  }
0x82: {  	_ =	shalt  }
0x83: {  	_ =	shalt  }
0x84: {  	_ =	shalt  }
0x85: {  	_ =	shalt  }
0x86: {  	_ =	shalt  }
0x87: {  	_ =	shalt  }
.Lfunc_end0:
.L_simem_size_0:
called_computation_lowered:
.L_overlay_start_0:
0x88: {  	s2 =	sld [smem:$0x3FD9]  }
0x89: {  	s3 =	sld [smem:$0x3FFE];
	_ =	sdelay $0x1  }
0x8a: {  	s1 =	srdreg.scid  }
0x8b: {  	s0 =	sand.u32 $0x1, s1  }
0x8c: {  	s17 =	sshll.u32 s0, $0xA;
	s2 =	sadd.s32 s3, s2  }
0x8d: {  	s2 =	sadd.s32 s2, s17  }
0x8e: {  	[smem:$0x3FC1] =	sst s2  }
0x8f: {  	_ = 	snop  }
0x90: {  	s2 =	sld [smem:$0x3FD0];
	(tm) =	ssettm $0x1  }
0x91: {  	s18 =	sld [smem:$0x3FFB];
	_ =	sdelay $0x3  }
0x92: {  	_ =	strace s18  }
0x93: {  	s3 =	sld [smem:$0x3FFC];
	_ =	sdelay $0x3  }
0x94: {  	_ =	strace s3  }
0x95: {  	s3 =	sld [smem:$0x3FFD];
	_ =	sdelay $0x3  }
0x96: {  	_ =	strace s3  }
0x97: {  	_ =	strace $0x8FFFFFFF  }
0x98: {  	s19 =	sld [smem:$0x3FDB];
	_ =	sdelay $0x1  }
0x99: {  	s4 =	simm.s32 $_scs_section_size  }
0x9a: {  	s5 =	simm.s32 $_size__tile_overlayer_lowered;
	s6 =	simm.s32 $_tile_overlayer_lowered  }
0x9b: {  	s22 =	simm.s32 $0x1BFF;
	s21 =	sshll.u32 s6, $0x1;
	s3 =	sadd.s32 s4, s19  }
0x9c: {  	s7 =	simm.s32 $0x0;
	s20 =	sshll.u32 s5, $0x1;
	s5 =	sadd.s32 s21, s3  }
0x9d: {  	[timem:s7], [sflag:s22] =	dma.local [hbm:s5], s20  }
0x9e: {  	_ =	swait.ge [sflag:s22], s20  }
0x9f: {  	s4 =	ssub.s32 $0x0, s20;
	[sflag:s22] =	ssyncset.done $0x0  }
0xa0: {  	[sflag:s22] =	ssyncadd.s32 s4;
	_ =	sdelay $0x1  }
0xa1: {  	s23 =	simm.s32 $0x1B8B  }
0xa2: {  	_ =	swait.ge [sflag:s23], $0x1  }
0xa3: {  	[sflag:s23] =	ssyncset.done $0x0  }
0xa4: {  	s25 =	simm.s32 $0x1B8E;
	s24 =	sld [smem:$0x3FFE];
	[sflag:s23] =	ssyncadd.s32 $0xFFFFFFFF  }
0xa5: {  	s26 =	simm.s32 $execute0_lowered;
	[smem:$0x3FD2] =	sst s25  }
0xa6: {  	s5 =	sshll.u32 s26, $0x1;
	_ =	strace $0x80000046;
	[dreg:$0x1] =	wrdreg $0xFFFFFFFF  }
0xa7: {  	s28 =	simm.s32 $_size_execute0_lowered;
	s3 =	sadd.s32 s3, s5;
	[dreg:$0x0] =	wrdreg $0x0  }
0xa8: {  	s5 =	sshll.u32 s28, $0x1;
	[dreg:$0x2] =	wrdreg s3  }
0xa9: {  	[dreg:$0x3] =	wrdreg s5  }
0xaa: {  	[dreg:$0x4] =	wrdreg $0xC0  }
0xab: {  	_ =	task [dreg:s7], $0x5FFFF  }
0xac: {  	[dreg:$0x1] =	wrdreg $0xFFFFFFFF  }
0xad: {  	[dreg:$0x0] =	wrdreg $0x60  }
0xae: {  	[dreg:$0x2] =	wrdreg s2  }
0xaf: {  	[dreg:$0x3] =	wrdreg s24  }
0xb0: {  	[dreg:$0x4] =	wrdreg $0x68000  }
0xb1: {  	[dreg:$0x5] =	wrdreg $0x9  }
0xb2: {  	_ =	task.clear_ibuf [dreg:s7], $0x6FFFF;
	_ =	strace $0x90000046  }
0xb3: {  	s29 =	simm.s32 $0x9;
	_ =	strace $0x80000048  }
0xb4: {  	_ =	swait.ge [sflag:s29], $0x1  }
0xb5: {  	[sflag:s29] =	ssyncadd.s32 $0xFFFFFFFF  }
0xb6: {  	_ =	strace $0x90000048  }
0xb7: {  	_ =	sfence  }
0xb8: {  	s30 =	sld [smem:$0x0];
	_ =	sdelay $0x2  }
0xb9: {  	s31 =	sshll.u32 s1, $0xD;
	s1 =	sshrl.u32 s1, $0x2  }
0xba: {  	s3 =	sand.u32 $0x4000, s31;
	s1 =	sadd.s32 s1, s30  }
0xbb: {  	s0 =	sor.u32 s3, s0;
	s1 =	sshll.u32 s1, $0x11  }
0xbc: {  	s0 =	sor.u32 s1, s0  }
0xbd: {  	s0 =	sadd.s32 $0x8F2B, s0  }
0xbe: {  	[sflag:s0] =	ssyncadd.remote.s32 $0x1  }
0xbf: {  	_ =	sfence.sel $0xFFFF  }
0xc0: {  	[dreg:$0x0] =	wrdreg $0xFFFFFFFF;
	(pc) =	sbr.abs _section_cstart, $3  }
0xc1: {  	[dreg:$0x1] =	wrdreg $0xFFFFFFFF  }
0xc2: {  	_ =	task.clear_ibuf [dreg:s7], $0x2FFFF;
	_ =	strace $0x9FFFFFFF  }
0xc3: {  	(tm) =	ssettm $0x7FFFFFFF  }
tec
execute0_lowered:
.L_overlay_start_1:
0x0: {  	(tag) =	ssettag $0x1  }
0x1: {  	s10 =	rddreg [dreg:$0x0]  }
0x2: {  	s5 =	rddreg [dreg:$0x1]  }
0x3: {  	s0 =	srdreg.scid;
	s2 =	rddreg [dreg:$0x2]  }
0x4: {  	s1 =	stileid.u32;
	s3 =	simm.s32 $0x0;
	s14 =	simm.s32 $0x2  }
0x5: {  	s15 =	simm.s32 $0x80;
	s16 =	simm.s32 $0x1;
	s17 =	simm.s32 $0x2600  }
0x6: {  	s18 =	simm.s32 $0x2680;
	s19 =	simm.s32 $0x2700;
	s22 =	simm.s32 $0x0  }
0x7: {  	s6 =	sand.u32 $0x1, s0;
	s0 =	rddreg [dreg:$0x3];
	s7 =	smul.u32 $0x14000, s1  }
0x8: {  	[smem:$0x7FF] =	sst s3;
	s8 =	smul.u32 $0x50000, s1;
	s20 =	sshll.u32 s1, $0x6  }
0x9: {  	s4 =	smul.u32 $0x140000, s6;
	_ =	strace $0x80000047;
	s30 =	ssub.s32 $0x2, s6  }
0xa: {  	s6 =	sshll.u32 s6, $0x4;
	s20 =	sor.u32 $0x1C02, s20;
	s31 =	sshrl.u32 s30, $0x1  }
0xb: {  	s6 =	sor.u32 s1, s6;
	s8 =	sshrl.u32 s8, $0x2;
	s7 =	sadd.s32 s7, s4  }
0xc: {  	s12 =	ssub.s32 s30, s31;
	s13 =	smul.u32 $0x500, s6;
	s7 =	sshrl.u32 s7, $0x3  }
0xd: {  	s4 =	sadd.s32 $0x1600, s5;
	s12 =	smax.u32 s12, $0x1;
	s11 =	sadd.s32 s7, s5  }
0xe: {  	s5 =	sadd.s32 s8, s2;
	s10 =	sadd.s32 s10, s13;
	s13 =	simm.s32 $0x2800  }
0xf: {  	s6 =	sadd.s32 $0x4000, s5;
	s7 =	sadd.s32 $0x8000, s5;
	s8 =	sadd.s32 $0xC000, s5  }
0x10: {  	v0 =	vimm.f32 $0.0e+00;
	s9 =	sadd.s32 $0x10000, s5;
	s11 =	sadd.s32 $0x1E00, s11;
	s21 =	sshrl.u32 s5, $0x3  }
.LBB2_1:
0x11: {  	s23 =	sand.u32 $0xFE00, s3  }
0x12: {  	s24 =	sand.u32 $0x70, s3;
	s25 =	sshrl.u32 s23, $0x2  }
0x13: {  	s23 =	simm.s32 $0x40;
	s25 =	sor.u32 s24, s25;
	s24 =	simm.s32 $0x0  }
.LBB2_2:
0x14: {  	p0 =	sne.s32 s23, $0xFFC0  }
0x15: {  	[tilespmem:s25+$0x2800] =	vst v0;
	s24 =	sadd.s32 $0x10, s24;
	s25 =	smov.u32 s23;
	s23 =	sadd.s32 $0x40, s23  }
.Ltmp0:
0x16: {  	(pc) =	sbr.rel @p0 .LBB2_2-.Ltmp0, $4  }
0x17: {  	_ = 	snop  }
0x18: {  	s25 =	sand.u32 $0xFE00, s25  }
0x19: {  	s26 =	sand.u32 $0x70, s24;
	s25 =	sshrl.u32 s25, $0x2  }
0x1a: {  	s25 =	sor.u32 s26, s25  }
0x1b: {  	[tilespmem:s25+$0x2800] =	vst v0  }
0x1c: {  	[spmem:s5] =	stream.linear.scatter [tilespmem:s13], [sflag:$0x2], $0x4000, $0x38;
	[tilespmem:$0x1A800] =	vst v63  }
0x1d: {  	_ =	swait.ge [sflag:s14], $0x4000  }
0x1e: {  	[sflag:s14] =	ssyncset.done $0x0  }
0x1f: {  	[sflag:s14] =	ssyncadd.s32 $0xFFFFC000  }
0x20: {  	[spmem:s6] =	stream.linear.scatter [tilespmem:s13], [sflag:$0x2], $0x4000, $0x38;
	[tilespmem:$0x1A800] =	vst v63  }
0x21: {  	_ =	swait.ge [sflag:s14], $0x4000  }
0x22: {  	[sflag:s14] =	ssyncset.done $0x0  }
0x23: {  	[sflag:s14] =	ssyncadd.s32 $0xFFFFC000  }
0x24: {  	[spmem:s7] =	stream.linear.scatter [tilespmem:s13], [sflag:$0x2], $0x4000, $0x38;
	[tilespmem:$0x1A800] =	vst v63  }
0x25: {  	_ =	swait.ge [sflag:s14], $0x4000  }
0x26: {  	[sflag:s14] =	ssyncset.done $0x0  }
0x27: {  	[sflag:s14] =	ssyncadd.s32 $0xFFFFC000  }
0x28: {  	[spmem:s8] =	stream.linear.scatter [tilespmem:s13], [sflag:$0x2], $0x4000, $0x38;
	[tilespmem:$0x1A800] =	vst v63  }
0x29: {  	_ =	swait.ge [sflag:s14], $0x4000  }
0x2a: {  	[sflag:s14] =	ssyncset.done $0x0  }
0x2b: {  	[sflag:s14] =	ssyncadd.s32 $0xFFFFC000  }
0x2c: {  	[spmem:s9] =	stream.linear.scatter [tilespmem:s13], [sflag:$0x2], $0x4000, $0x38;
	[tilespmem:$0x1A800] =	vst v63  }
0x2d: {  	_ =	swait.ge [sflag:s14], $0x4000  }
0x2e: {  	[sflag:s14] =	ssyncset.done $0x0  }
0x2f: {  	s23 =	simm.s32 $0x0;
	[sflag:s14] =	ssyncadd.s32 $0xFFFFC000  }
0x30: {  	[tilespmem:s13], [sflag:$0x2] =	stream.linear.gather [hbm4b:s4+s23], $0x4000, $0x38;
	[tilespmem:$0x1A800] =	vst v63  }
0x31: {  	_ =	swait.ge [sflag:s14], $0x4000  }
0x32: {  	[sflag:s14] =	ssyncset.done $0x0  }
0x33: {  	[sflag:s14] =	ssyncadd.s32 $0xFFFFC000  }
0x34: {  	[tilespmem:s23], [sflag:$0x2] =	stream.linear.gather [hbm4b:s10+s23], $0x2780, $0x38;
	[tilespmem:$0x1A800] =	vst v63  }
0x35: {  	_ =	swait.ge [sflag:s14], $0x2780  }
0x36: {  	[sflag:s14] =	ssyncset.done $0x0  }
0x37: {  	[sflag:s14] =	ssyncadd.s32 $0xFFFFD880  }
0x38: {  	s28 =	simm.s32 $0x0;
	[bflag:$0x0] =	sbarrier.arrive $0xFFFF  }
0x39: {  	[spmem:s2] =	stream.indirect.scatter.add.f32 [tilespmem:s13], [sflag:$0x1], $0x80, s28, s15, $0xb8;
	[tilespmem:$0x1A800] =	vst v63  }
0x3a: {  	s29 =	simm.s32 $0x80  }
0x3b: {  	[spmem:s2] =	stream.indirect.scatter.add.f32 [tilespmem:s13], [sflag:$0x1], $0x80, s29, s15, $0xb8;
	[tilespmem:$0x1A800] =	vst v63  }
0x3c: {  	s30 =	simm.s32 $0x100  }
0x3d: {  	[spmem:s2] =	stream.indirect.scatter.add.f32 [tilespmem:s13], [sflag:$0x1], $0x80, s30, s15, $0xb8;
	[tilespmem:$0x1A800] =	vst v63  }
0x3e: {  	s31 =	simm.s32 $0x180  }
0x3f: {  	[spmem:s2] =	stream.indirect.scatter.add.f32 [tilespmem:s13], [sflag:$0x1], $0x80, s31, s15, $0xb8;
	[tilespmem:$0x1A800] =	vst v63  }
0x40: {  	_ =	swait.ge [sflag:s16], $0x4000  }
0x41: {  	[sflag:s16] =	ssyncset.done $0x0  }
0x42: {  	[sflag:s16] =	ssyncadd.s32 $0xFFFFC000  }
0x43: {  	_ =	swait.ge [sflag:s16], $0x4000  }
0x44: {  	[sflag:s16] =	ssyncset.done $0x0  }
0x45: {  	[sflag:s16] =	ssyncadd.s32 $0xFFFFC000  }
0x46: {  	_ =	swait.ge [sflag:s16], $0x4000  }
0x47: {  	[sflag:s16] =	ssyncset.done $0x0  }
0x48: {  	[sflag:s16] =	ssyncadd.s32 $0xFFFFC000  }
0x49: {  	_ =	swait.ge [sflag:s16], $0x4000  }
0x4a: {  	s24 =	simm.s32 $0x1000;
	s23 =	simm.s32 $0x800;
	[sflag:s16] =	ssyncset.done $0x0  }
.LBB2_4:
0x4b: {  	s25 =	sshra.s32 s23, $0x2  }
0x4c: {  	[sflag:s16] =	ssyncadd.s32 $0xFFFFC000;
	s23 =	smov.u32 s24;
	s26 =	sadd.s32 $0x800, s24  }
0x4d: {  	[spmem:s2] =	stream.indirect.scatter.add.f32 [tilespmem:s13], [sflag:$0x1], $0x80, s25, s15, $0xb8;
	[tilespmem:$0x1A800] =	vst v63  }
0x4e: {  	p0 =	sne.s32 s24, $0x9000;
	s24 =	sadd.s32 $0x80, s25  }
0x4f: {  	[spmem:s2] =	stream.indirect.scatter.add.f32 [tilespmem:s13], [sflag:$0x1], $0x80, s24, s15, $0xb8;
	[tilespmem:$0x1A800] =	vst v63  }
0x50: {  	s24 =	sadd.s32 $0x100, s25  }
0x51: {  	[spmem:s2] =	stream.indirect.scatter.add.f32 [tilespmem:s13], [sflag:$0x1], $0x80, s24, s15, $0xb8;
	[tilespmem:$0x1A800] =	vst v63  }
0x52: {  	s24 =	sadd.s32 $0x180, s25  }
0x53: {  	[spmem:s2] =	stream.indirect.scatter.add.f32 [tilespmem:s13], [sflag:$0x1], $0x80, s24, s15, $0xb8;
	[tilespmem:$0x1A800] =	vst v63  }
0x54: {  	_ =	swait.ge [sflag:s16], $0x4000  }
0x55: {  	[sflag:s16] =	ssyncset.done $0x0  }
0x56: {  	[sflag:s16] =	ssyncadd.s32 $0xFFFFC000  }
0x57: {  	_ =	swait.ge [sflag:s16], $0x4000  }
0x58: {  	[sflag:s16] =	ssyncset.done $0x0  }
0x59: {  	[sflag:s16] =	ssyncadd.s32 $0xFFFFC000  }
.Ltmp1:
0x5a: {  	_ =	swait.ge [sflag:s16], $0x4000;
	(pc) =	sbr.rel @p0 .LBB2_4-.Ltmp1, $4  }
0x5b: {  	[sflag:s16] =	ssyncset.done $0x0  }
0x5c: {  	[sflag:s16] =	ssyncadd.s32 $0xFFFFC000  }
0x5d: {  	_ =	swait.ge [sflag:s16], $0x4000  }
0x5e: {  	s24 =	smov.u32 s26;
	[sflag:s16] =	ssyncset.done $0x0  }
0x5f: {  	s23 =	sshra.s32 s23, $0x2;
	[sflag:s16] =	ssyncadd.s32 $0xFFFFC000  }
0x60: {  	[spmem:s2] =	stream.indirect.scatter.add.f32 [tilespmem:s13], [sflag:$0x1], $0x80, s23, s15, $0xb8;
	[tilespmem:$0x1A800] =	vst v63  }
0x61: {  	s24 =	sadd.s32 $0x80, s23  }
0x62: {  	[spmem:s2] =	stream.indirect.scatter.add.f32 [tilespmem:s13], [sflag:$0x1], $0x80, s24, s15, $0xb8;
	[tilespmem:$0x1A800] =	vst v63  }
0x63: {  	s31 =	sadd.s32 $0x100, s23  }
0x64: {  	[spmem:s2] =	stream.indirect.scatter.add.f32 [tilespmem:s13], [sflag:$0x1], $0x80, s31, s15, $0xb8;
	[tilespmem:$0x1A800] =	vst v63  }
0x65: {  	s23 =	sadd.s32 $0x180, s23  }
0x66: {  	[spmem:s2] =	stream.indirect.scatter.add.f32 [tilespmem:s13], [sflag:$0x1], $0x80, s23, s15, $0xb8;
	[tilespmem:$0x1A800] =	vst v63  }
0x67: {  	_ =	swait.ge [sflag:s16], $0x4000  }
0x68: {  	[sflag:s16] =	ssyncset.done $0x0  }
0x69: {  	[sflag:s16] =	ssyncadd.s32 $0xFFFFC000  }
0x6a: {  	_ =	swait.ge [sflag:s16], $0x4000  }
0x6b: {  	[sflag:s16] =	ssyncset.done $0x0  }
0x6c: {  	[sflag:s16] =	ssyncadd.s32 $0xFFFFC000  }
0x6d: {  	_ =	swait.ge [sflag:s16], $0x4000  }
0x6e: {  	[sflag:s16] =	ssyncset.done $0x0  }
0x6f: {  	[sflag:s16] =	ssyncadd.s32 $0xFFFFC000  }
0x70: {  	_ =	swait.ge [sflag:s16], $0x4000  }
0x71: {  	[sflag:s16] =	ssyncset.done $0x0  }
0x72: {  	[sflag:s16] =	ssyncadd.s32 $0xFFFFC000  }
0x73: {  	[spmem:s2] =	stream.indirect.scatter.add.f32 [tilespmem:s13], [sflag:$0x1], $0x80, s17, s15, $0xb8;
	[tilespmem:$0x1A800] =	vst v63  }
0x74: {  	_ =	swait.ge [sflag:s16], $0x4000  }
0x75: {  	[sflag:s16] =	ssyncset.done $0x0  }
0x76: {  	[sflag:s16] =	ssyncadd.s32 $0xFFFFC000  }
0x77: {  	[spmem:s2] =	stream.indirect.scatter.add.f32 [tilespmem:s13], [sflag:$0x1], $0x80, s18, s15, $0xb8;
	[tilespmem:$0x1A800] =	vst v63  }
0x78: {  	_ =	swait.ge [sflag:s16], $0x4000  }
0x79: {  	[sflag:s16] =	ssyncset.done $0x0  }
0x7a: {  	[sflag:s16] =	ssyncadd.s32 $0xFFFFC000  }
0x7b: {  	[spmem:s2] =	stream.indirect.scatter.add.f32 [tilespmem:s13], [sflag:$0x1], $0x80, s19, s15, $0xb8;
	[tilespmem:$0x1A800] =	vst v63  }
0x7c: {  	_ =	swait.ge [sflag:s16], $0x4000  }
0x7d: {  	s22 =	sadd.s32 $0x1, s22;
	[sflag:s16] =	ssyncset.done $0x0  }
0x7e: {  	p0 =	sne.s32 s22, s12;
	[sflag:s16] =	ssyncadd.s32 $0xFFFFC000  }
.Ltmp2:
0x7f: {  	[bflag:$0x0] =	sbarrier.arrive $0xFFFF;
	(pc) =	sbr.rel @p0 .LBB2_1-.Ltmp2, $4  }
0x80: {  	[hbm:s11], [sflag:s20] =	dma.local [spmem:s21], $0x2800  }
0x81: {  	_ =	swait.ge [sflag:s14], $0x2800  }
0x82: {  	[sflag:s14] =	ssyncset.done $0x0  }
0x83: {  	[sflag:s14] =	ssyncadd.s32 $0xFFFFD800  }
0x84: {  	_ =	sfence.sel $0x180000  }
0x85: {  	[bflag:$0x0] =	sbarrier.arrive $0xFFFF  }
0x86: {  	p0 =	sne.s32 s1, $0x0;
	_ =	strace $0x90000047  }
0x87: {  	s0 =	sadd.s32 @!p0 $0x100000, s0;
	[bflag:$0x2] =	sbarrier.arrive $0xFFFF  }
0x88: {  	[sflag:s0] =	ssyncadd.tile.s32 @!p0 $0x1;
	_ =	shalt  }
.Lfunc_end2:
_tile_overlayer_lowered:
.L_overlay_start_2:
0x89: {  	(tag) =	ssettag $0x2  }
0x8a: {  	s0 =	rddreg [dreg:$0x0];
	s2 =	stileid.u32  }
0x8b: {  	s1 =	rddreg [dreg:$0x1];
	p0 =	sne.s32 s2, $0x0  }
0x8c: {  	s3 =	rddreg [dreg:$0x2];
	[bflag:$0x3] =	sbarrier.arrive $0xFFFF;
	s2 =	simm.s32 @!p0 $0x1C02  }
0x8d: {  	[timem:s3], [sflag:s2] =	dma.local @!p0 [hbm:s0], s1  }
0x8e: {  	s0 =	simm.s32 @!p0 $0x2  }
0x8f: {  	_ =	swait.ge @!p0 [sflag:s0], s1  }
0x90: {  	s1 =	ssub.s32 @!p0 $0x0, s1;
	[sflag:s0] =	ssyncset.done @!p0 $0x0  }
0x91: {  	[sflag:s0] =	ssyncadd.s32 @!p0 s1  }
0x92: {  	[bflag:$0x3] =	sbarrier.arrive $0xFFFF  }
0x93: {  	_ =	shalt  }

// kernel: kernel.9.cloned.1.call-start
scs
__scs_entry_jumppad:
0x0: {  	(pc) =	sbr.rel $0x88, $3  }
0x1: {  	(tag) =	ssettag $0x0;
	lr =	simm.s32 $0x1  }
0x2: {  	[smem:$0x3F9A] =	sst lr;
	_ =	strace $0xD0000000  }
0x3: {  	_ = 	snop  }
0x4: {  	_ = 	snop  }
0x5: {  	_ = 	snop  }
0x6: {  	_ = 	snop  }
0x7: {  	_ = 	snop  }
__scs_overlays_trampoline_lowered:
0x8: {  	[smem:$0x3FA9] =	sst s0  }
0x9: {  	[smem:$0x3FAA] =	sst s1  }
0xa: {  	[smem:$0x3FAB] =	sst s2  }
0xb: {  	[smem:$0x3FAC] =	sst s3  }
0xc: {  	[smem:$0x3FAD] =	sst s4  }
0xd: {  	[smem:$0x3FAE] =	sst s5  }
0xe: {  	[smem:$0x3FAF] =	sst s6  }
0xf: {  	[smem:$0x3FB0] =	sst s7  }
0x10: {  	[smem:$0x3FB1] =	sst s8  }
0x11: {  	[smem:$0x3FB2] =	sst s9;
	s0 =	simm.s32 @!p0 $0x0  }
0x12: {  	s1 =	sld [smem:$0x3F98];
	s0 =	simm.s32 @p0 $0x1  }
0x13: {  	[smem:$0x3FB3] =	sst s0;
	s0 =	simm.s32 @!p1 $0x0  }
0x14: {  	s2 =	sld [smem:$0x3F97];
	s0 =	simm.s32 @p1 $0x1  }
0x15: {  	[smem:$0x3FB4] =	sst s0;
	s0 =	simm.s32 @!p2 $0x0  }
0x16: {  	s3 =	sld [smem:$0x3FDB];
	s0 =	simm.s32 @p2 $0x1  }
0x17: {  	s4 =	simm.s32 $0x1BF5;
	[smem:$0x3FB6] =	sst s0  }
0x18: {  	s0 =	sld [smem:$0x3F99];
	_ =	swait.ge [sflag:s4], $0x0  }
0x19: {  	s7 =	sld [smem:$0x3F9A]  }
0x1a: {  	s8 =	sadd.s32 $0xFFFFE003, lr  }
0x1b: {  	s9 =	sadd.s32 $0xFFFFFEF7, lr;
	s5 =	simm.s32 $0xFFFFFFFF;
	p2 =	slt.u32 s8, $0xFFFFF086  }
0x1c: {  	p1 =	slt.u32 s9, $0xF7A;
	s5 =	simm.s32 @!p2 $0x0  }
0x1d: {  	s5 =	simm.s32 @p1 $0x1;
	p0 =	seq.s32 s7, s2  }
0x1e: {  	s7 =	smul.u32 @!p0 $0xF7A, s2;
	p2 =	seq.s32 @!p0 s5, $0x0  }
0x1f: {  	s9 =	smul.u32 $0xF7A, s1;
	s8 =	simm.s32 @!p0 $0x1BF5;
	p2 =	por !p2, p0  }
0x20: {  	[sflag:s8] =	ssyncset.s32 @!p0 $0xFFFFF086;
	s6 =	sadd.s32 @!p0 s3, s7;
	s7 =	simm.s32 @!p0 $0x108  }
0x21: {  	s3 =	sadd.s32 s3, s9;
	s6 =	sadd.s32 @!p0 $0x88, s6;
	s7 =	simm.s32 @p2 $0x1082  }
0x22: {  	[simem:s7], [sflag:s8] =	dma.local @!p0 [hbm:s6], $0xF7A  }
0x23: {  	s9 =	sor.u32 $0xD0000000, s2;
	s6 =	simm.s32 $0x108;
	_ =	swait.ge @!p0 [sflag:s8], $0x0  }
0x24: {  	s3 =	sadd.s32 $0x88, s3;
	s6 =	simm.s32 @!p1 $0x1082;
	[sflag:s4] =	ssyncset.s32 $0xFFFFF086  }
0x25: {  	[simem:s6], [sflag:s4] =	dma.local [hbm:s3], $0xF7A  }
0x26: {  	[smem:$0x3F9A] =	sst s1;
	(tag) =	ssettag s2;
	_ =	strace s9  }
0x27: {  	s1 =	sld [smem:$0x3FAA]  }
0x28: {  	s2 =	sld [smem:$0x3FAB]  }
0x29: {  	s4 =	sld [smem:$0x3FAD]  }
0x2a: {  	p0 =	seq.s32 s5, $0x0;
	s5 =	sld [smem:$0x3FAE]  }
0x2b: {  	s6 =	sld [smem:$0x3FAF]  }
0x2c: {  	s7 =	sld [smem:$0x3FB0]  }
0x2d: {  	s3 =	simm.s32 $0x108;
	s8 =	sld [smem:$0x3FB1]  }
0x2e: {  	s3 =	simm.s32 @!p0 $0x1082;
	s9 =	sld [smem:$0x3FB2]  }
0x2f: {  	lr =	sadd.s32 s0, s3;
	s0 =	sld [smem:$0x3FA9]  }
0x30: {  	s3 =	sld [smem:$0x3FAC]  }
0x31: {  	[smem:$0x3FB5] =	sst s10  }
0x32: {  	s10 =	sld [smem:$0x3FB3];
	_ =	sdelay $0x3  }
0x33: {  	p0 =	seq.s32 s10, $0x1;
	s10 =	sld [smem:$0x3FB5];
	_ =	sdelay $0x3  }
0x34: {  	[smem:$0x3FB5] =	sst s10  }
0x35: {  	s10 =	sld [smem:$0x3FB4];
	_ =	sdelay $0x3  }
0x36: {  	p1 =	seq.s32 s10, $0x1;
	s10 =	sld [smem:$0x3FB5];
	_ =	sdelay $0x3  }
0x37: {  	[smem:$0x3FB5] =	sst s10  }
0x38: {  	s10 =	sld [smem:$0x3FB6]  }
0x39: {  	_ = 	snop;
	(pc) =	sbr.ind lr, $3  }
0x3a: {  	_ = 	snop  }
0x3b: {  	_ = 	snop  }
0x3c: {  	p2 =	seq.s32 s10, $0x1;
	s10 =	sld [smem:$0x3FB5]  }
0x3d: {  	_ =	shalt  }
0x3e: {  	_ =	shalt  }
0x3f: {  	_ =	shalt  }
0x40: {  	_ =	shalt  }
0x41: {  	_ =	shalt  }
0x42: {  	_ =	shalt  }
0x43: {  	_ =	shalt  }
0x44: {  	_ =	shalt  }
0x45: {  	_ =	shalt  }
0x46: {  	_ =	shalt  }
0x47: {  	_ =	shalt  }
0x48: {  	_ =	shalt  }
0x49: {  	_ =	shalt  }
0x4a: {  	_ =	shalt  }
0x4b: {  	_ =	shalt  }
0x4c: {  	_ =	shalt  }
0x4d: {  	_ =	shalt  }
0x4e: {  	_ =	shalt  }
0x4f: {  	_ =	shalt  }
0x50: {  	_ =	shalt  }
0x51: {  	_ =	shalt  }
0x52: {  	_ =	shalt  }
0x53: {  	_ =	shalt  }
0x54: {  	_ =	shalt  }
0x55: {  	_ =	shalt  }
0x56: {  	_ =	shalt  }
0x57: {  	_ =	shalt  }
0x58: {  	_ =	shalt  }
0x59: {  	_ =	shalt  }
0x5a: {  	_ =	shalt  }
0x5b: {  	_ =	shalt  }
0x5c: {  	_ =	shalt  }
0x5d: {  	_ =	shalt  }
0x5e: {  	_ =	shalt  }
0x5f: {  	_ =	shalt  }
0x60: {  	_ =	shalt  }
0x61: {  	_ =	shalt  }
0x62: {  	_ =	shalt  }
0x63: {  	_ =	shalt  }
0x64: {  	_ =	shalt  }
0x65: {  	_ =	shalt  }
0x66: {  	_ =	shalt  }
0x67: {  	_ =	shalt  }
0x68: {  	_ =	shalt  }
0x69: {  	_ =	shalt  }
0x6a: {  	_ =	shalt  }
0x6b: {  	_ =	shalt  }
0x6c: {  	_ =	shalt  }
0x6d: {  	_ =	shalt  }
0x6e: {  	_ =	shalt  }
0x6f: {  	_ =	shalt  }
0x70: {  	_ =	shalt  }
0x71: {  	_ =	shalt  }
0x72: {  	_ =	shalt  }
0x73: {  	_ =	shalt  }
0x74: {  	_ =	shalt  }
0x75: {  	_ =	shalt  }
0x76: {  	_ =	shalt  }
0x77: {  	_ =	shalt  }
0x78: {  	_ =	shalt  }
0x79: {  	_ =	shalt  }
0x7a: {  	_ =	shalt  }
0x7b: {  	_ =	shalt  }
0x7c: {  	_ =	shalt  }
0x7d: {  	_ =	shalt  }
0x7e: {  	_ =	shalt  }
0x7f: {  	_ =	shalt  }
0x80: {  	_ =	shalt  }
0x81: {  	_ =	shalt  }
0x82: {  	_ =	shalt  }
0x83: {  	_ =	shalt  }
0x84: {  	_ =	shalt  }
0x85: {  	_ =	shalt  }
0x86: {  	_ =	shalt  }
0x87: {  	_ =	shalt  }
.Lfunc_end0:
.L_simem_size_0:
called_computation.1_lowered:
.L_overlay_start_0:
0x88: {  	s2 =	sld [smem:$0x3FD9]  }
0x89: {  	s3 =	sld [smem:$0x3FFE];
	_ =	sdelay $0x1  }
0x8a: {  	s1 =	srdreg.scid  }
0x8b: {  	s0 =	sand.u32 $0x1, s1  }
0x8c: {  	s17 =	sshll.u32 s0, $0xA;
	s2 =	sadd.s32 s3, s2  }
0x8d: {  	s2 =	sadd.s32 s2, s17  }
0x8e: {  	[smem:$0x3FC1] =	sst s2  }
0x8f: {  	_ = 	snop  }
0x90: {  	s2 =	sld [smem:$0x3FD0];
	(tm) =	ssettm $0x1  }
0x91: {  	s18 =	sld [smem:$0x3FFB];
	_ =	sdelay $0x3  }
0x92: {  	_ =	strace s18  }
0x93: {  	s3 =	sld [smem:$0x3FFC];
	_ =	sdelay $0x3  }
0x94: {  	_ =	strace s3  }
0x95: {  	s3 =	sld [smem:$0x3FFD];
	_ =	sdelay $0x3  }
0x96: {  	_ =	strace s3  }
0x97: {  	_ =	strace $0x8FFFFFFF  }
0x98: {  	s19 =	sld [smem:$0x3FDB];
	_ =	sdelay $0x1  }
0x99: {  	s4 =	simm.s32 $_scs_section_size  }
0x9a: {  	s5 =	simm.s32 $_size__tile_overlayer_lowered;
	s6 =	simm.s32 $_tile_overlayer_lowered  }
0x9b: {  	s22 =	simm.s32 $0x1BFF;
	s21 =	sshll.u32 s6, $0x1;
	s3 =	sadd.s32 s4, s19  }
0x9c: {  	s7 =	simm.s32 $0x0;
	s20 =	sshll.u32 s5, $0x1;
	s5 =	sadd.s32 s21, s3  }
0x9d: {  	[timem:s7], [sflag:s22] =	dma.local [hbm:s5], s20  }
0x9e: {  	_ =	swait.ge [sflag:s22], s20  }
0x9f: {  	s4 =	ssub.s32 $0x0, s20;
	[sflag:s22] =	ssyncset.done $0x0  }
0xa0: {  	[sflag:s22] =	ssyncadd.s32 s4;
	_ =	sdelay $0x1  }
0xa1: {  	s23 =	simm.s32 $0x1B8B  }
0xa2: {  	_ =	swait.ge [sflag:s23], $0x1  }
0xa3: {  	[sflag:s23] =	ssyncset.done $0x0  }
0xa4: {  	s25 =	simm.s32 $0x1B8E;
	s24 =	sld [smem:$0x3FFE];
	[sflag:s23] =	ssyncadd.s32 $0xFFFFFFFF  }
0xa5: {  	s26 =	simm.s32 $execute0_lowered;
	[smem:$0x3FD2] =	sst s25  }
0xa6: {  	s5 =	sshll.u32 s26, $0x1;
	_ =	strace $0x80000049;
	[dreg:$0x1] =	wrdreg $0xFFFFFFFF  }
0xa7: {  	s28 =	simm.s32 $_size_execute0_lowered;
	s3 =	sadd.s32 s3, s5;
	[dreg:$0x0] =	wrdreg $0x0  }
0xa8: {  	s5 =	sshll.u32 s28, $0x1;
	[dreg:$0x2] =	wrdreg s3  }
0xa9: {  	[dreg:$0x3] =	wrdreg s5  }
0xaa: {  	[dreg:$0x4] =	wrdreg $0xC0  }
0xab: {  	_ =	task [dreg:s7], $0x5FFFF  }
0xac: {  	[dreg:$0x1] =	wrdreg $0xFFFFFFFF  }
0xad: {  	[dreg:$0x0] =	wrdreg $0x60  }
0xae: {  	[dreg:$0x2] =	wrdreg s24  }
0xaf: {  	[dreg:$0x3] =	wrdreg s2  }
0xb0: {  	[dreg:$0x4] =	wrdreg $0x70000  }
0xb1: {  	[dreg:$0x5] =	wrdreg $0x9  }
0xb2: {  	_ =	task.clear_ibuf [dreg:s7], $0x6FFFF;
	_ =	strace $0x90000049  }
0xb3: {  	s29 =	simm.s32 $0x9;
	_ =	strace $0x8000004B  }
0xb4: {  	_ =	swait.ge [sflag:s29], $0x1  }
0xb5: {  	[sflag:s29] =	ssyncadd.s32 $0xFFFFFFFF  }
0xb6: {  	_ =	strace $0x9000004B  }
0xb7: {  	_ =	sfence  }
0xb8: {  	s30 =	sld [smem:$0x0];
	_ =	sdelay $0x2  }
0xb9: {  	s31 =	sshll.u32 s1, $0xD;
	s1 =	sshrl.u32 s1, $0x2  }
0xba: {  	s3 =	sand.u32 $0x4000, s31;
	s1 =	sadd.s32 s1, s30  }
0xbb: {  	s0 =	sor.u32 s3, s0;
	s1 =	sshll.u32 s1, $0x11  }
0xbc: {  	s0 =	sor.u32 s1, s0  }
0xbd: {  	s0 =	sadd.s32 $0x8F2B, s0  }
0xbe: {  	[sflag:s0] =	ssyncadd.remote.s32 $0x1  }
0xbf: {  	_ =	sfence.sel $0xFFFF  }
0xc0: {  	[dreg:$0x0] =	wrdreg $0xFFFFFFFF;
	(pc) =	sbr.abs _section_cstart, $3  }
0xc1: {  	[dreg:$0x1] =	wrdreg $0xFFFFFFFF  }
0xc2: {  	_ =	task.clear_ibuf [dreg:s7], $0x2FFFF;
	_ =	strace $0x9FFFFFFF  }
0xc3: {  	(tm) =	ssettm $0x7FFFFFFF  }
tec
execute0_lowered:
.L_overlay_start_1:
0x0: {  	(tag) =	ssettag $0x1  }
0x1: {  	s0 =	rddreg [dreg:$0x0]  }
0x2: {  	s1 =	rddreg [dreg:$0x1]  }
0x3: {  	s2 =	rddreg [dreg:$0x2];
	s3 =	srdreg.scid  }
0x4: {  	s4 =	simm.s32 $0x0;
	s23 =	stileid.u32;
	s21 =	simm.s32 $0x68  }
0x5: {  	s22 =	simm.s32 $0x3000;
	s28 =	simm.s32 $0x2;
	s6 =	smul.u32 $0x14000, s23  }
0x6: {  	s29 =	simm.s32 $0x0;
	s19 =	sand.u32 $0x1, s3;
	s7 =	smul.u32 $0x50000, s23  }
0x7: {  	[smem:$0x7FF] =	sst s4;
	s14 =	sadd.s32 $0x51E00, s0;
	s8 =	smul.u32 $0x36, s23  }
0x8: {  	s15 =	sadd.s32 $0x5C000, s0;
	s9 =	smul.u32 $0x68, s23;
	s23 =	simm.s32 $0x3  }
0x9: {  	s5 =	smul.u32 $0x140000, s19;
	_ =	strace $0x8000004A;
	s24 =	ssub.s32 $0x2, s19  }
0xa: {  	p0 =	seq.s32 s19, $0x0;
	s25 =	sshrl.u32 s24, $0x1;
	s26 =	sshrl.u32 s7, $0x2  }
0xb: {  	s18 =	sadd.s32 $0x680, s8;
	s21 =	simm.s32 @!p0 $0x36;
	s5 =	sadd.s32 s6, s5  }
0xc: {  	s17 =	ssub.s32 s24, s25;
	s18 =	smov.u32 @p0 s9;
	s20 =	smin.u32 s21, $0x50  }
0xd: {  	s21 =	smax.u32 s21, $0x51;
	s24 =	simm.s32 $0x1800;
	p0 =	sne.s32 s19, $0x0  }
0xe: {  	s25 =	simm.s32 $0x80;
	s5 =	sshrl.u32 s5, $0x3;
	s11 =	sshll.u32 s18, $0x4  }
0xf: {  	s31 =	sshll.u32 s18, $0x7;
	s17 =	smax.u32 s17, $0x1;
	s20 =	sadd.s32 $0xFFFFFFD8, s20  }
0x10: {  	s21 =	sadd.s32 $0xFFFFFFB0, s21;
	s0 =	sadd.s32 s5, s0;
	s5 =	sadd.s32 s26, s2  }
0x11: {  	s12 =	sand.u32 $0xFF80, s11;
	s13 =	sadd.s32 $0x280, s11;
	s16 =	sadd.s32 $0x500, s11  }
0x12: {  	s18 =	sand.u32 $0x300, s31;
	s26 =	simm.s32 $0x1;
	s6 =	sadd.s32 $0x4000, s5  }
.Ltmp0:
0x13: {  	s7 =	sadd.s32 $0x8000, s5;
	s8 =	sadd.s32 $0xC000, s5;
	(pc) =	sbr.rel .LBB2_1-.Ltmp0, $4  }
0x14: {  	s9 =	sadd.s32 $0x10000, s5;
	s10 =	sadd.s32 s14, s12;
	s13 =	sand.u32 $0x1FF80, s13  }
0x15: {  	s11 =	sadd.s32 s15, s12;
	s16 =	sand.u32 $0x1FF80, s16;
	s12 =	sadd.s32 s14, s13  }
0x16: {  	s13 =	sadd.s32 s15, s13;
	s30 =	sadd.s32 s14, s16;
	s15 =	sadd.s32 s15, s16  }
0x17: {  	v0 =	vimm.f32 $0.0e+00;
	s16 =	sadd.s32 $0x66200, s0;
	s0 =	sor.u32 $0x1800, s18;
	[dreg:$0x4] =	wrdreg s30  }
.LBB2_10:
0x18: {  	[sflag:s28] =	ssyncadd.s32 $0xFFFFC000  }
.LBB2_11:
0x19: {  	s3 =	stileid.u32;
	s29 =	sadd.s32 $0x1, s29  }
0x1a: {  	[bflag:$0x0] =	sbarrier.arrive $0xFFFF;
	s3 =	sshll.u32 s3, $0x6;
	p1 =	sne.s32 s29, s17  }
.Ltmp1:
0x1b: {  	s14 =	sshrl.u32 s5, $0x3;
	s3 =	sor.u32 $0x1C03, s3;
	(pc) =	sbr.rel @!p1 .LBB2_12-.Ltmp1, $4  }
0x1c: {  	[hbm:s16], [sflag:s3] =	dma.local [spmem:s14], $0x2800  }
0x1d: {  	_ =	swait.ge [sflag:s23], $0x2800  }
0x1e: {  	[sflag:s23] =	ssyncset.done $0x0  }
0x1f: {  	[sflag:s23] =	ssyncadd.s32 $0xFFFFD800  }
.LBB2_1:
0x20: {  	s19 =	sand.u32 $0xFE00, s4  }
0x21: {  	s30 =	sand.u32 $0x70, s4;
	s31 =	sshrl.u32 s19, $0x2  }
0x22: {  	s19 =	simm.s32 $0x40;
	s31 =	sor.u32 s30, s31;
	s30 =	simm.s32 $0x0  }
.LBB2_2:
0x23: {  	p1 =	sne.s32 s19, $0xFFC0  }
0x24: {  	[tilespmem:s31+$0x3000] =	vst v0;
	s30 =	sadd.s32 $0x10, s30;
	s31 =	smov.u32 s19;
	s19 =	sadd.s32 $0x40, s19  }
.Ltmp2:
0x25: {  	(pc) =	sbr.rel @p1 .LBB2_2-.Ltmp2, $4  }
0x26: {  	_ = 	snop  }
0x27: {  	s31 =	sand.u32 $0xFE00, s31  }
0x28: {  	s3 =	sand.u32 $0x70, s30;
	s31 =	sshrl.u32 s31, $0x2  }
0x29: {  	s31 =	sor.u32 s3, s31  }
0x2a: {  	[tilespmem:s31+$0x3000] =	vst v0  }
0x2b: {  	[spmem:s5] =	stream.linear.scatter [tilespmem:s22], [sflag:$0x3], $0x4000, $0x38;
	[tilespmem:$0x1B000] =	vst v63  }
0x2c: {  	_ =	swait.ge [sflag:s23], $0x4000  }
0x2d: {  	[sflag:s23] =	ssyncset.done $0x0  }
0x2e: {  	[sflag:s23] =	ssyncadd.s32 $0xFFFFC000  }
0x2f: {  	[spmem:s6] =	stream.linear.scatter [tilespmem:s22], [sflag:$0x3], $0x4000, $0x38;
	[tilespmem:$0x1B000] =	vst v63  }
0x30: {  	_ =	swait.ge [sflag:s23], $0x4000  }
0x31: {  	[sflag:s23] =	ssyncset.done $0x0  }
0x32: {  	[sflag:s23] =	ssyncadd.s32 $0xFFFFC000  }
0x33: {  	[spmem:s7] =	stream.linear.scatter [tilespmem:s22], [sflag:$0x3], $0x4000, $0x38;
	[tilespmem:$0x1B000] =	vst v63  }
0x34: {  	_ =	swait.ge [sflag:s23], $0x4000  }
0x35: {  	[sflag:s23] =	ssyncset.done $0x0  }
0x36: {  	[sflag:s23] =	ssyncadd.s32 $0xFFFFC000  }
0x37: {  	[spmem:s8] =	stream.linear.scatter [tilespmem:s22], [sflag:$0x3], $0x4000, $0x38;
	[tilespmem:$0x1B000] =	vst v63  }
0x38: {  	_ =	swait.ge [sflag:s23], $0x4000  }
0x39: {  	[sflag:s23] =	ssyncset.done $0x0  }
0x3a: {  	[sflag:s23] =	ssyncadd.s32 $0xFFFFC000  }
0x3b: {  	[spmem:s9] =	stream.linear.scatter [tilespmem:s22], [sflag:$0x3], $0x4000, $0x38;
	[tilespmem:$0x1B000] =	vst v63  }
0x3c: {  	_ =	swait.ge [sflag:s23], $0x4000  }
0x3d: {  	[sflag:s23] =	ssyncset.done $0x0  }
0x3e: {  	[sflag:s23] =	ssyncadd.s32 $0xFFFFC000  }
0x3f: {  	s3 =	simm.s32 $0x0;
	[bflag:$0x0] =	sbarrier.arrive $0xFFFF  }
0x40: {  	[tilespmem:s3], [sflag:$0x3] =	stream.linear.gather [hbm4b:s10+s3], $0x1800, $0x38;
	[tilespmem:$0x1B000] =	vst v63  }
0x41: {  	_ =	swait.ge [sflag:s23], $0x1800  }
0x42: {  	[sflag:s23] =	ssyncset.done $0x0  }
0x43: {  	[sflag:s23] =	ssyncadd.s32 $0xFFFFE800  }
0x44: {  	[tilespmem:s24], [sflag:$0x3] =	stream.linear.gather [hbm4b:s11+s3], $0x1800, $0x38;
	[tilespmem:$0x1B000] =	vst v63  }
0x45: {  	_ =	swait.ge [sflag:s23], $0x1800  }
0x46: {  	[sflag:s23] =	ssyncset.done $0x0  }
0x47: {  	s19 =	sadd.s32 $0x0, s18;
	[sflag:s23] =	ssyncadd.s32 $0xFFFFE800  }
0x48: {  	[tilespmem:s22], [sflag:$0x1] =	stream.indirect.gather [hbm4b:s1+s25], $0x80, s19, s25, $0xb8;
	[tilespmem:$0x1B000] =	vst v63  }
0x49: {  	_ =	swait.ge [sflag:s26], $0x4000  }
0x4a: {  	[sflag:s26] =	ssyncset.done $0x0  }
0x4b: {  	s31 =	sadd.s32 $0x0, s0;
	[sflag:s26] =	ssyncadd.s32 $0xFFFFC000  }
0x4c: {  	[spmem:s2] =	stream.indirect.scatter.add.f32 [tilespmem:s22], [sflag:$0x2], $0x80, s31, s25, $0xb8;
	[tilespmem:$0x1B000] =	vst v63  }
0x4d: {  	_ =	swait.ge [sflag:s28], $0x4000  }
0x4e: {  	s30 =	simm.s32 $0x80;
	s19 =	simm.s32 $0x400;
	[sflag:s28] =	ssyncset.done $0x0  }
.LBB2_4:
0x4f: {  	s3 =	sadd.s32 s30, s18  }
0x50: {  	[sflag:s28] =	ssyncadd.s32 $0xFFFFC000;
	s31 =	smov.u32 s19;
	s14 =	sadd.s32 $0x200, s19  }
0x51: {  	[tilespmem:s22], [sflag:$0x1] =	stream.indirect.gather [hbm4b:s1+s25], $0x80, s3, s25, $0xb8;
	[tilespmem:$0x1B000] =	vst v63  }
0x52: {  	p1 =	sne.s32 s19, $0x4E00;
	_ =	swait.ge [sflag:s26], $0x4000  }
.Ltmp3:
0x53: {  	[sflag:s26] =	ssyncset.done $0x0;
	(pc) =	sbr.rel @p1 .LBB2_4-.Ltmp3, $4  }
0x54: {  	s3 =	sadd.s32 s30, s0;
	[sflag:s26] =	ssyncadd.s32 $0xFFFFC000  }
0x55: {  	[spmem:s2] =	stream.indirect.scatter.add.f32 [tilespmem:s22], [sflag:$0x2], $0x80, s3, s25, $0xb8;
	[tilespmem:$0x1B000] =	vst v63  }
0x56: {  	_ =	swait.ge [sflag:s28], $0x4000  }
0x57: {  	s30 =	sshra.s32 s31, $0x2;
	s19 =	smov.u32 s14;
	[sflag:s28] =	ssyncset.done $0x0  }
0x58: {  	s3 =	sadd.s32 s30, s18;
	[sflag:s28] =	ssyncadd.s32 $0xFFFFC000  }
0x59: {  	[tilespmem:s22], [sflag:$0x1] =	stream.indirect.gather [hbm4b:s1+s25], $0x80, s3, s25, $0xb8;
	[tilespmem:$0x1B000] =	vst v63  }
0x5a: {  	_ =	swait.ge [sflag:s26], $0x4000  }
0x5b: {  	[sflag:s26] =	ssyncset.done $0x0  }
0x5c: {  	s19 =	sadd.s32 s30, s0;
	[sflag:s26] =	ssyncadd.s32 $0xFFFFC000  }
0x5d: {  	[spmem:s2] =	stream.indirect.scatter.add.f32 [tilespmem:s22], [sflag:$0x2], $0x80, s19, s25, $0xb8;
	[tilespmem:$0x1B000] =	vst v63  }
0x5e: {  	_ =	swait.ge [sflag:s28], $0x4000  }
0x5f: {  	[sflag:s28] =	ssyncset.done $0x0  }
0x60: {  	[sflag:s28] =	ssyncadd.s32 $0xFFFFC000  }
0x61: {  	[tilespmem:s4], [sflag:$0x3] =	stream.linear.gather [hbm4b:s12+s4], $0x1800, $0x38;
	[tilespmem:$0x1B000] =	vst v63  }
0x62: {  	_ =	swait.ge [sflag:s23], $0x1800  }
0x63: {  	[sflag:s23] =	ssyncset.done $0x0  }
0x64: {  	[sflag:s23] =	ssyncadd.s32 $0xFFFFE800  }
0x65: {  	[tilespmem:s24], [sflag:$0x3] =	stream.linear.gather [hbm4b:s13+s4], $0x1800, $0x38;
	[tilespmem:$0x1B000] =	vst v63  }
0x66: {  	_ =	swait.ge [sflag:s23], $0x1800  }
0x67: {  	[sflag:s23] =	ssyncset.done $0x0  }
0x68: {  	[sflag:s23] =	ssyncadd.s32 $0xFFFFE800  }
0x69: {  	[tilespmem:s22], [sflag:$0x1] =	stream.indirect.gather [hbm4b:s1+s25], $0x80, s18, s25, $0xb8;
	[tilespmem:$0x1B000] =	vst v63  }
0x6a: {  	p1 =	sne.s32 s20, $0x1;
	_ =	swait.ge [sflag:s26], $0x4000  }
.Ltmp4:
0x6b: {  	[sflag:s26] =	ssyncset.done $0x0;
	(pc) =	sbr.rel @!p1 .LBB2_7-.Ltmp4, $4  }
0x6c: {  	[sflag:s26] =	ssyncadd.s32 $0xFFFFC000  }
0x6d: {  	[spmem:s2] =	stream.indirect.scatter.add.f32 [tilespmem:s22], [sflag:$0x2], $0x80, s0, s25, $0xb8;
	[tilespmem:$0x1B000] =	vst v63  }
0x6e: {  	s30 =	sadd.s32 $0xFFFFFFFF, s20;
	_ =	swait.ge [sflag:s28], $0x4000  }
0x6f: {  	s31 =	smov.u32 s18;
	s19 =	smov.u32 s0;
	[sflag:s28] =	ssyncset.done $0x0  }
.LBB2_6:
0x70: {  	[sflag:s28] =	ssyncadd.s32 $0xFFFFC000;
	s31 =	sadd.s32 $0x80, s31;
	s19 =	sadd.s32 $0x80, s19  }
0x71: {  	[tilespmem:s22], [sflag:$0x1] =	stream.indirect.gather [hbm4b:s1+s25], $0x80, s31, s25, $0xb8;
	[tilespmem:$0x1B000] =	vst v63  }
0x72: {  	p1 =	sne.s32 s30, $0x1;
	s30 =	sadd.s32 $0xFFFFFFFF, s30;
	_ =	swait.ge [sflag:s26], $0x4000  }
.Ltmp5:
0x73: {  	[sflag:s26] =	ssyncset.done $0x0;
	(pc) =	sbr.rel @p1 .LBB2_6-.Ltmp5, $4  }
0x74: {  	[sflag:s26] =	ssyncadd.s32 $0xFFFFC000  }
0x75: {  	[spmem:s2] =	stream.indirect.scatter.add.f32 [tilespmem:s22], [sflag:$0x2], $0x80, s19, s25, $0xb8;
	[tilespmem:$0x1B000] =	vst v63  }
0x76: {  	_ =	swait.ge [sflag:s28], $0x4000  }
0x77: {  	[sflag:s28] =	ssyncset.done $0x0  }
.LBB2_7:
.Ltmp6:
0x78: {  	(pc) =	sbr.rel @p0 .LBB2_11-.Ltmp6, $2  }
0x79: {  	_ =	sdelay $0x2  }
0x7a: {  	[sflag:s28] =	ssyncadd.s32 $0xFFFFC000  }
0x7b: {  	s3 =	rddreg [dreg:$0x4]  }
0x7c: {  	[tilespmem:s4], [sflag:$0x3] =	stream.linear.gather [hbm4b:s3+s4], $0x1800, $0x38;
	[tilespmem:$0x1B000] =	vst v63  }
0x7d: {  	_ =	swait.ge [sflag:s23], $0x1800  }
0x7e: {  	[sflag:s23] =	ssyncset.done $0x0  }
0x7f: {  	[sflag:s23] =	ssyncadd.s32 $0xFFFFE800  }
0x80: {  	[tilespmem:s24], [sflag:$0x3] =	stream.linear.gather [hbm4b:s15+s4], $0x1800, $0x38;
	[tilespmem:$0x1B000] =	vst v63  }
0x81: {  	_ =	swait.ge [sflag:s23], $0x1800  }
0x82: {  	[sflag:s23] =	ssyncset.done $0x0  }
0x83: {  	[sflag:s23] =	ssyncadd.s32 $0xFFFFE800  }
0x84: {  	[tilespmem:s22], [sflag:$0x1] =	stream.indirect.gather [hbm4b:s1+s25], $0x80, s18, s25, $0xb8;
	[tilespmem:$0x1B000] =	vst v63  }
0x85: {  	p1 =	sne.s32 s21, $0x1;
	_ =	swait.ge [sflag:s26], $0x4000  }
.Ltmp7:
0x86: {  	[sflag:s26] =	ssyncset.done $0x0;
	(pc) =	sbr.rel @!p1 .LBB2_10-.Ltmp7, $4  }
0x87: {  	[sflag:s26] =	ssyncadd.s32 $0xFFFFC000  }
0x88: {  	[spmem:s2] =	stream.indirect.scatter.add.f32 [tilespmem:s22], [sflag:$0x2], $0x80, s0, s25, $0xb8;
	[tilespmem:$0x1B000] =	vst v63  }
0x89: {  	s30 =	sadd.s32 $0xFFFFFFFF, s21;
	_ =	swait.ge [sflag:s28], $0x4000  }
0x8a: {  	s31 =	smov.u32 s18;
	s19 =	smov.u32 s0;
	[sflag:s28] =	ssyncset.done $0x0  }
.LBB2_9:
0x8b: {  	[sflag:s28] =	ssyncadd.s32 $0xFFFFC000;
	s31 =	sadd.s32 $0x80, s31;
	s19 =	sadd.s32 $0x80, s19  }
0x8c: {  	[tilespmem:s22], [sflag:$0x1] =	stream.indirect.gather [hbm4b:s1+s25], $0x80, s31, s25, $0xb8;
	[tilespmem:$0x1B000] =	vst v63  }
0x8d: {  	p1 =	sne.s32 s30, $0x1;
	s30 =	sadd.s32 $0xFFFFFFFF, s30;
	_ =	swait.ge [sflag:s26], $0x4000  }
.Ltmp8:
0x8e: {  	[sflag:s26] =	ssyncset.done $0x0;
	(pc) =	sbr.rel @p1 .LBB2_9-.Ltmp8, $4  }
0x8f: {  	[sflag:s26] =	ssyncadd.s32 $0xFFFFC000  }
0x90: {  	[spmem:s2] =	stream.indirect.scatter.add.f32 [tilespmem:s22], [sflag:$0x2], $0x80, s19, s25, $0xb8;
	[tilespmem:$0x1B000] =	vst v63  }
0x91: {  	_ =	swait.ge [sflag:s28], $0x4000  }
0x92: {  	[sflag:s28] =	ssyncset.done $0x0  }
.Ltmp9:
0x93: {  	_ = 	snop;
	(pc) =	sbr.rel .LBB2_10-.Ltmp9, $1  }
0x94: {  	_ =	sdelay $0x3  }
.LBB2_12:
0x95: {  	_ =	sfence.sel $0x180000  }
0x96: {  	[bflag:$0x0] =	sbarrier.arrive $0xFFFF  }
0x97: {  	_ =	strace $0x9000004A  }
0x98: {  	s0 =	stileid.u32;
	[bflag:$0x2] =	sbarrier.arrive $0xFFFF  }
0x99: {  	p0 =	sne.s32 s0, $0x0;
	s0 =	rddreg [dreg:$0x3]  }
0x9a: {  	s0 =	sadd.s32 @!p0 $0x100000, s0  }
0x9b: {  	[sflag:s0] =	ssyncadd.tile.s32 @!p0 $0x1;
	_ =	shalt  }
.Lfunc_end2:
_tile_overlayer_lowered:
.L_overlay_start_2:
0x9c: {  	(tag) =	ssettag $0x2  }
0x9d: {  	s0 =	rddreg [dreg:$0x0];
	s2 =	stileid.u32  }
0x9e: {  	s1 =	rddreg [dreg:$0x1];
	p0 =	sne.s32 s2, $0x0  }
0x9f: {  	s3 =	rddreg [dreg:$0x2];
	[bflag:$0x3] =	sbarrier.arrive $0xFFFF;
	s2 =	simm.s32 @!p0 $0x1C03  }
0xa0: {  	[timem:s3], [sflag:s2] =	dma.local @!p0 [hbm:s0], s1  }
0xa1: {  	s0 =	simm.s32 @!p0 $0x3  }
0xa2: {  	_ =	swait.ge @!p0 [sflag:s0], s1  }
0xa3: {  	s1 =	ssub.s32 @!p0 $0x0, s1;
	[sflag:s0] =	ssyncset.done @!p0 $0x0  }
0xa4: {  	[sflag:s0] =	ssyncadd.s32 @!p0 s1  }
0xa5: {  	[bflag:$0x3] =	sbarrier.arrive $0xFFFF  }
0xa6: {  	_ =	shalt  }

</sc_bundles>
